<compile_context>
chip_gen: v7x
topology: tpu7x:2x2x1
jax: 0.10.2.dev20260603
libtpu: 0.0.44.dev20260713+nightly
codegen_flags: <defaults>
</compile_context>

<pallas_src>
import functools

import jax
import jax.numpy as jnp
from jax import lax
from jax.experimental import pallas as pl
from jax.experimental.pallas import tpu as pltpu
from jax.experimental.pallas import tpu_sc as plsc

N_POINTS = 16384
N_FEAT = 64
N_CLUSTERS = 128
BLK = 8192
N_BLK = N_POINTS // BLK

_WORKERS = 8
_ROWS_PER_WORKER = N_CLUSTERS // _WORKERS


def _argmin_body(xt_ref, ct_ref, idx_ref, bv_ref, bi_ref):
    j = pl.program_id(0)
    xbt = xt_ref[0]
    ctb = ct_ref[...]
    dot = lax.dot_general(
        ctb,
        xbt,
        (((0,), (0,)), ((), ())),
        preferred_element_type=jnp.float32,
        precision=lax.Precision.HIGHEST,
    )
    xn = jnp.sum(xbt * xbt, axis=0, keepdims=True)
    s = xn - 2.0 * dot
    bmin = jnp.min(s, axis=1, keepdims=True)
    ii = lax.broadcasted_iota(jnp.int32, s.shape, 1) + j * BLK
    bidx = jnp.min(
        jnp.where(s == bmin, ii, jnp.int32(2**30)), axis=1, keepdims=True
    )

    @pl.when(j == 0)
    def _():
        bv_ref[...] = bmin
        bi_ref[...] = bidx

    @pl.when(j > 0)
    def _():
        better = bmin < bv_ref[...]
        bv_ref[...] = jnp.where(better, bmin, bv_ref[...])
        bi_ref[...] = jnp.where(better, bidx, bi_ref[...])

    @pl.when(j == N_BLK - 1)
    def _():
        idx_ref[...] = jnp.transpose(bi_ref[...])


def _tc_argmin(xt, ct):
    return pl.pallas_call(
        _argmin_body,
        grid=(N_BLK,),
        in_specs=[
            pl.BlockSpec((1, N_FEAT, BLK), lambda j: (0, 0, j)),
            pl.BlockSpec((N_FEAT, N_CLUSTERS), lambda j: (0, 0)),
        ],
        out_specs=pl.BlockSpec((1, N_CLUSTERS), lambda j: (0, 0)),
        out_shape=jax.ShapeDtypeStruct((1, N_CLUSTERS), jnp.int32),
        scratch_shapes=[
            pltpu.VMEM((N_CLUSTERS, 1), jnp.float32),
            pltpu.VMEM((N_CLUSTERS, 1), jnp.int32),
        ],
    )(xt, ct)


@functools.lru_cache(maxsize=1)
def _make_sc_gather():
    nc = plsc.get_sparse_core_info().num_cores

    @functools.partial(
        pl.kernel,
        mesh=plsc.VectorSubcoreMesh(core_axis_name="c", subcore_axis_name="s"),
        out_type=jax.ShapeDtypeStruct((1, N_CLUSTERS, N_FEAT), jnp.float32),
        scratch_types=[
            pltpu.VMEM((_ROWS_PER_WORKER,), jnp.int32),
            pltpu.VMEM((_ROWS_PER_WORKER, N_FEAT), jnp.float32),
            pltpu.SemaphoreType.DMA,
        ],
    )
    def _sc_gather(x_hbm, idx_hbm, out_hbm, idx_v, rows_v, sem):
        wid = lax.axis_index("s") * nc + lax.axis_index("c")

        @pl.when(wid < _WORKERS)
        def _():
            base = wid * _ROWS_PER_WORKER
            pltpu.sync_copy(idx_hbm.at[0, pl.ds(base, _ROWS_PER_WORKER)], idx_v)
            idx16 = idx_v[...]
            copies = []
            for r in range(_ROWS_PER_WORKER):
                i = idx16[r]
                copies.append(
                    pltpu.async_copy(
                        x_hbm.at[0, pl.ds(i, 1), :], rows_v.at[pl.ds(r, 1), :], sem
                    )
                )
            for c in copies:
                c.wait()
            pltpu.sync_copy(rows_v, out_hbm.at[0, pl.ds(base, _ROWS_PER_WORKER)])

    return _sc_gather


def kernel(x, cluster_centers):
    xt = jnp.swapaxes(x, 1, 2)
    ct = cluster_centers.T
    idx = _tc_argmin(xt, ct)
    return _make_sc_gather()(x, idx)

# --- scband reference (transcript-rebuilt; emitter-appended) ---
"""Pipeline reference for scband-clustering-layer-36601711296729 (READ-ONLY COPY).

The authoritative reference and input builder live on the scoring server;
editing this copy changes nothing except your own understanding.
"""

import jax, jax.numpy as jnp
import numpy as np

NUM_FEATURES = 64
NUM_CLUSTERS = 128
N_POINTS = 16384


def setup_inputs(seed: int = 0) -> dict:
    key = jax.random.key(seed)
    k1, k2 = jax.random.split(key)
    x = jax.random.normal(k1, (1, N_POINTS, NUM_FEATURES), dtype=jnp.float32)
    cluster_centers = jax.random.normal(k2, (NUM_CLUSTERS, NUM_FEATURES), dtype=jnp.float32)
    return {"x": x, "cluster_centers": cluster_centers}


def reference(x, cluster_centers):
    # x: (1, n, F); cluster_centers: (K, F)
    # x_expanded: (1, n, 1, F); centers_expanded: (1, 1, K, F)
    diff = x[:, :, None, :] - cluster_centers[None, None, :, :]
    distances = jnp.linalg.norm(diff, axis=3)  # (1, n, K)
    indices = jnp.argmin(distances, axis=1)  # (1, K) -- torch.min(dim=1) indices
    idx = jnp.broadcast_to(indices[:, :, None], (x.shape[0], indices.shape[1], x.shape[2]))
    selected_features = jnp.take_along_axis(x, idx, axis=1)  # (1, K, F)
    return selected_features

if __name__ == "__main__":
    import jax
    _d = setup_inputs()
    print(jax.jit(kernel)(*tuple(_d.values())))

</pallas_src>

<mosaic_0001>
#map = affine_map<(d0, d1) -> (0, 0, 0)>
#map1 = affine_map<(d0, d1) -> (0, 0)>
module attributes {stable_mosaic.version = 14 : i64} {
  func.func @_sc_gather(%arg0: i32, %arg1: i32, %arg2: memref<1x16384x64xf32, #tpu.memory_space<hbm>>, %arg3: memref<1x128xi32, #tpu.memory_space<hbm>>, %arg4: memref<1x128x64xf32, #tpu.memory_space<hbm>>, %arg5: memref<16xi32, #tpu.memory_space<vmem>>, %arg6: memref<16x64xf32, #tpu.memory_space<vmem>>, %arg7: memref<!tpu.dma_semaphore, #tpu.memory_space<semaphore_mem>>) attributes {dimension_semantics = [#tpu.dimension_semantics<core_parallel>, #tpu.dimension_semantics<subcore_parallel>], iteration_bounds = array<i64: 2, 16>, scalar_prefetch = 0 : i64, scratch_operands = 3 : i64, tpu.core_type = #tpu.core_type<sc_vector_subcore>, window_params = [{transform_indices = #map}, {transform_indices = #map1}, {transform_indices = #map}]} {
    %mul3A = arith.constant 2 : i32
    %mul3A_0 = arith.muli %arg1, %mul3A : i32
    %add3A = arith.addi %mul3A_0, %arg0 : i32
    %lt3A = arith.constant 8 : i32
    %lt3A_1 = arith.cmpi slt, %add3A, %lt3A : i32
    %convert_element_type3A = arith.extui %lt3A_1 : i1 to i32
    %cond3A = arith.constant 0 : i32
    %cond3A_2 = arith.cmpi ne, %convert_element_type3A, %cond3A : i32
    scf.if %cond3A_2 {
      %mul3A_3 = arith.constant 16 : i32
      %mul3A_4 = arith.muli %add3A, %mul3A_3 : i32
      %run_scoped3A = arith.constant 0 : i32
      "tpu.region"() ({
        %run_scoped3A_452 = tpu.sem_alloc : memref<!tpu.dma_semaphore, #tpu.memory_space<semaphore_mem>>
        %dma_start3A_453 = tpu.memref_slice %arg3[%run_scoped3A, %mul3A_4] : memref<1x128xi32, #tpu.memory_space<hbm>> -> memref<1x16xi32, #tpu.memory_space<hbm>>
        %dma_start3A_454 = tpu.memref_squeeze %dma_start3A_453 : memref<1x16xi32, #tpu.memory_space<hbm>> -> memref<16xi32, #tpu.memory_space<hbm>>
        %dma_start3A_455 = tpu.memref_slice %arg3[%run_scoped3A, %mul3A_4] : memref<1x128xi32, #tpu.memory_space<hbm>> -> memref<1x16xi32, #tpu.memory_space<hbm>>
        %dma_start3A_456 = tpu.memref_squeeze %dma_start3A_455 : memref<1x16xi32, #tpu.memory_space<hbm>> -> memref<16xi32, #tpu.memory_space<hbm>>
        tpu.enqueue_dma source(%dma_start3A_456 : memref<16xi32, #tpu.memory_space<hbm>>) target(%arg5 : memref<16xi32, #tpu.memory_space<vmem>>) target_semaphore(%run_scoped3A_452 : memref<!tpu.dma_semaphore, #tpu.memory_space<semaphore_mem>>)
        %dma_wait3A_457 = tpu.memref_slice %arg3[%run_scoped3A, %mul3A_4] : memref<1x128xi32, #tpu.memory_space<hbm>> -> memref<1x16xi32, #tpu.memory_space<hbm>>
        %dma_wait3A_458 = tpu.memref_squeeze %dma_wait3A_457 : memref<1x16xi32, #tpu.memory_space<hbm>> -> memref<16xi32, #tpu.memory_space<hbm>>
        %dma_wait3A_459 = tpu.memref_slice %arg3[%run_scoped3A, %mul3A_4] : memref<1x128xi32, #tpu.memory_space<hbm>> -> memref<1x16xi32, #tpu.memory_space<hbm>>
        %dma_wait3A_460 = tpu.memref_squeeze %dma_wait3A_459 : memref<1x16xi32, #tpu.memory_space<hbm>> -> memref<16xi32, #tpu.memory_space<hbm>>
        tpu.wait_dma2 semaphore(%run_scoped3A_452 : memref<!tpu.dma_semaphore, #tpu.memory_space<semaphore_mem>>) src(%dma_wait3A_460 : memref<16xi32, #tpu.memory_space<hbm>>) dst(%arg5 : memref<16xi32, #tpu.memory_space<vmem>>)
        tpu.yield
      }) : () -> ()
      %get3A = arith.constant 0 : index
      %get3A_5 = tpu.vector_load %arg5[%get3A] {strides = array<i32>} : memref<16xi32, #tpu.memory_space<vmem>>, vector<16xi32>,
      %get3A_6 = vector.shape_cast %get3A_5 : vector<16xi32> to vector<16xi32>
      %slice3A = vector.extract_strided_slice %get3A_6 {offsets = [0], sizes = [1], strides = [1]} : vector<16xi32> to vector<1xi32>
      %squeeze3A = vector.extract %slice3A[0] : i32 from vector<1xi32>
      %dma_start3A = arith.constant 0 : i32
      %dma_start3A_7 = arith.constant 0 : i32
      %dma_start3A_8 = arith.constant 0 : i32
      %dma_start3A_9 = tpu.memref_slice %arg6[%dma_start3A_7, %dma_start3A_8] : memref<16x64xf32, #tpu.memory_space<vmem>> -> memref<1x64xf32, #tpu.memory_space<vmem>>
      %dma_start3A_10 = arith.constant 0 : i32
      %dma_start3A_11 = tpu.memref_slice %arg2[%dma_start3A, %squeeze3A, %dma_start3A_10] : memref<1x16384x64xf32, #tpu.memory_space<hbm>> -> memref<1x1x64xf32, #tpu.memory_space<hbm>>
      %dma_start3A_12 = tpu.memref_squeeze %dma_start3A_11 : memref<1x1x64xf32, #tpu.memory_space<hbm>> -> memref<1x64xf32, #tpu.memory_space<hbm>>
      %dma_start3A_13 = arith.constant 0 : i32
      %dma_start3A_14 = arith.constant 0 : i32
      %dma_start3A_15 = tpu.memref_slice %arg6[%dma_start3A_13, %dma_start3A_14] : memref<16x64xf32, #tpu.memory_space<vmem>> -> memref<1x64xf32, #tpu.memory_space<vmem>>
      %dma_start3A_16 = arith.constant 0 : i32
      %dma_start3A_17 = tpu.memref_slice %arg2[%dma_start3A, %squeeze3A, %dma_start3A_16] : memref<1x16384x64xf32, #tpu.memory_space<hbm>> -> memref<1x1x64xf32, #tpu.memory_space<hbm>>
      %dma_start3A_18 = tpu.memref_squeeze %dma_start3A_17 : memref<1x1x64xf32, #tpu.memory_space<hbm>> -> memref<1x64xf32, #tpu.memory_space<hbm>>
      tpu.enqueue_dma source(%dma_start3A_18 : memref<1x64xf32, #tpu.memory_space<hbm>>) target(%dma_start3A_15 : memref<1x64xf32, #tpu.memory_space<vmem>>) target_semaphore(%arg7 : memref<!tpu.dma_semaphore, #tpu.memory_space<semaphore_mem>>)
      %slice3A_19 = vector.extract_strided_slice %get3A_6 {offsets = [1], sizes = [1], strides = [1]} : vector<16xi32> to vector<1xi32>
      %squeeze3A_20 = vector.extract %slice3A_19[0] : i32 from vector<1xi32>
      %dma_start3A_21 = arith.constant 0 : i32
      %dma_start3A_22 = arith.constant 1 : i32
      %dma_start3A_23 = arith.constant 0 : i32
      %dma_start3A_24 = tpu.memref_slice %arg6[%dma_start3A_22, %dma_start3A_23] : memref<16x64xf32, #tpu.memory_space<vmem>> -> memref<1x64xf32, #tpu.memory_space<vmem>>
      %dma_start3A_25 = arith.constant 0 : i32
      %dma_start3A_26 = tpu.memref_slice %arg2[%dma_start3A_21, %squeeze3A_20, %dma_start3A_25] : memref<1x16384x64xf32, #tpu.memory_space<hbm>> -> memref<1x1x64xf32, #tpu.memory_space<hbm>>
      %dma_start3A_27 = tpu.memref_squeeze %dma_start3A_26 : memref<1x1x64xf32, #tpu.memory_space<hbm>> -> memref<1x64xf32, #tpu.memory_space<hbm>>
      %dma_start3A_28 = arith.constant 1 : i32
      %dma_start3A_29 = arith.constant 0 : i32
      %dma_start3A_30 = tpu.memref_slice %arg6[%dma_start3A_28, %dma_start3A_29] : memref<16x64xf32, #tpu.memory_space<vmem>> -> memref<1x64xf32, #tpu.memory_space<vmem>>
      %dma_start3A_31 = arith.constant 0 : i32
      %dma_start3A_32 = tpu.memref_slice %arg2[%dma_start3A_21, %squeeze3A_20, %dma_start3A_31] : memref<1x16384x64xf32, #tpu.memory_space<hbm>> -> memref<1x1x64xf32, #tpu.memory_space<hbm>>
      %dma_start3A_33 = tpu.memref_squeeze %dma_start3A_32 : memref<1x1x64xf32, #tpu.memory_space<hbm>> -> memref<1x64xf32, #tpu.memory_space<hbm>>
      tpu.enqueue_dma source(%dma_start3A_33 : memref<1x64xf32, #tpu.memory_space<hbm>>) target(%dma_start3A_30 : memref<1x64xf32, #tpu.memory_space<vmem>>) target_semaphore(%arg7 : memref<!tpu.dma_semaphore, #tpu.memory_space<semaphore_mem>>)
      %slice3A_34 = vector.extract_strided_slice %get3A_6 {offsets = [2], sizes = [1], strides = [1]} : vector<16xi32> to vector<1xi32>
      %squeeze3A_35 = vector.extract %slice3A_34[0] : i32 from vector<1xi32>
      %dma_start3A_36 = arith.constant 0 : i32
      %dma_start3A_37 = arith.constant 2 : i32
      %dma_start3A_38 = arith.constant 0 : i32
      %dma_start3A_39 = tpu.memref_slice %arg6[%dma_start3A_37, %dma_start3A_38] : memref<16x64xf32, #tpu.memory_space<vmem>> -> memref<1x64xf32, #tpu.memory_space<vmem>>
      %dma_start3A_40 = arith.constant 0 : i32
      %dma_start3A_41 = tpu.memref_slice %arg2[%dma_start3A_36, %squeeze3A_35, %dma_start3A_40] : memref<1x16384x64xf32, #tpu.memory_space<hbm>> -> memref<1x1x64xf32, #tpu.memory_space<hbm>>
      %dma_start3A_42 = tpu.memref_squeeze %dma_start3A_41 : memref<1x1x64xf32, #tpu.memory_space<hbm>> -> memref<1x64xf32, #tpu.memory_space<hbm>>
      %dma_start3A_43 = arith.constant 2 : i32
      %dma_start3A_44 = arith.constant 0 : i32
      %dma_start3A_45 = tpu.memref_slice %arg6[%dma_start3A_43, %dma_start3A_44] : memref<16x64xf32, #tpu.memory_space<vmem>> -> memref<1x64xf32, #tpu.memory_space<vmem>>
      %dma_start3A_46 = arith.constant 0 : i32
      %dma_start3A_47 = tpu.memref_slice %arg2[%dma_start3A_36, %squeeze3A_35, %dma_start3A_46] : memref<1x16384x64xf32, #tpu.memory_space<hbm>> -> memref<1x1x64xf32, #tpu.memory_space<hbm>>
      %dma_start3A_48 = tpu.memref_squeeze %dma_start3A_47 : memref<1x1x64xf32, #tpu.memory_space<hbm>> -> memref<1x64xf32, #tpu.memory_space<hbm>>
      tpu.enqueue_dma source(%dma_start3A_48 : memref<1x64xf32, #tpu.memory_space<hbm>>) target(%dma_start3A_45 : memref<1x64xf32, #tpu.memory_space<vmem>>) target_semaphore(%arg7 : memref<!tpu.dma_semaphore, #tpu.memory_space<semaphore_mem>>)
      %slice3A_49 = vector.extract_strided_slice %get3A_6 {offsets = [3], sizes = [1], strides = [1]} : vector<16xi32> to vector<1xi32>
      %squeeze3A_50 = vector.extract %slice3A_49[0] : i32 from vector<1xi32>
      %dma_start3A_51 = arith.constant 0 : i32
      %dma_start3A_52 = arith.constant 3 : i32
      %dma_start3A_53 = arith.constant 0 : i32
      %dma_start3A_54 = tpu.memref_slice %arg6[%dma_start3A_52, %dma_start3A_53] : memref<16x64xf32, #tpu.memory_space<vmem>> -> memref<1x64xf32, #tpu.memory_space<vmem>>
      %dma_start3A_55 = arith.constant 0 : i32
      %dma_start3A_56 = tpu.memref_slice %arg2[%dma_start3A_51, %squeeze3A_50, %dma_start3A_55] : memref<1x16384x64xf32, #tpu.memory_space<hbm>> -> memref<1x1x64xf32, #tpu.memory_space<hbm>>
      %dma_start3A_57 = tpu.memref_squeeze %dma_start3A_56 : memref<1x1x64xf32, #tpu.memory_space<hbm>> -> memref<1x64xf32, #tpu.memory_space<hbm>>
      %dma_start3A_58 = arith.constant 3 : i32
      %dma_start3A_59 = arith.constant 0 : i32
      %dma_start3A_60 = tpu.memref_slice %arg6[%dma_start3A_58, %dma_start3A_59] : memref<16x64xf32, #tpu.memory_space<vmem>> -> memref<1x64xf32, #tpu.memory_space<vmem>>
      %dma_start3A_61 = arith.constant 0 : i32
      %dma_start3A_62 = tpu.memref_slice %arg2[%dma_start3A_51, %squeeze3A_50, %dma_start3A_61] : memref<1x16384x64xf32, #tpu.memory_space<hbm>> -> memref<1x1x64xf32, #tpu.memory_space<hbm>>
      %dma_start3A_63 = tpu.memref_squeeze %dma_start3A_62 : memref<1x1x64xf32, #tpu.memory_space<hbm>> -> memref<1x64xf32, #tpu.memory_space<hbm>>
      tpu.enqueue_dma source(%dma_start3A_63 : memref<1x64xf32, #tpu.memory_space<hbm>>) target(%dma_start3A_60 : memref<1x64xf32, #tpu.memory_space<vmem>>) target_semaphore(%arg7 : memref<!tpu.dma_semaphore, #tpu.memory_space<semaphore_mem>>)
      %slice3A_64 = vector.extract_strided_slice %get3A_6 {offsets = [4], sizes = [1], strides = [1]} : vector<16xi32> to vector<1xi32>
      %squeeze3A_65 = vector.extract %slice3A_64[0] : i32 from vector<1xi32>
      %dma_start3A_66 = arith.constant 0 : i32
      %dma_start3A_67 = arith.constant 4 : i32
      %dma_start3A_68 = arith.constant 0 : i32
      %dma_start3A_69 = tpu.memref_slice %arg6[%dma_start3A_67, %dma_start3A_68] : memref<16x64xf32, #tpu.memory_space<vmem>> -> memref<1x64xf32, #tpu.memory_space<vmem>>
      %dma_start3A_70 = arith.constant 0 : i32
      %dma_start3A_71 = tpu.memref_slice %arg2[%dma_start3A_66, %squeeze3A_65, %dma_start3A_70] : memref<1x16384x64xf32, #tpu.memory_space<hbm>> -> memref<1x1x64xf32, #tpu.memory_space<hbm>>
      %dma_start3A_72 = tpu.memref_squeeze %dma_start3A_71 : memref<1x1x64xf32, #tpu.memory_space<hbm>> -> memref<1x64xf32, #tpu.memory_space<hbm>>
      %dma_start3A_73 = arith.constant 4 : i32
      %dma_start3A_74 = arith.constant 0 : i32
      %dma_start3A_75 = tpu.memref_slice %arg6[%dma_start3A_73, %dma_start3A_74] : memref<16x64xf32, #tpu.memory_space<vmem>> -> memref<1x64xf32, #tpu.memory_space<vmem>>
      %dma_start3A_76 = arith.constant 0 : i32
      %dma_start3A_77 = tpu.memref_slice %arg2[%dma_start3A_66, %squeeze3A_65, %dma_start3A_76] : memref<1x16384x64xf32, #tpu.memory_space<hbm>> -> memref<1x1x64xf32, #tpu.memory_space<hbm>>
      %dma_start3A_78 = tpu.memref_squeeze %dma_start3A_77 : memref<1x1x64xf32, #tpu.memory_space<hbm>> -> memref<1x64xf32, #tpu.memory_space<hbm>>
      tpu.enqueue_dma source(%dma_start3A_78 : memref<1x64xf32, #tpu.memory_space<hbm>>) target(%dma_start3A_75 : memref<1x64xf32, #tpu.memory_space<vmem>>) target_semaphore(%arg7 : memref<!tpu.dma_semaphore, #tpu.memory_space<semaphore_mem>>)
      %slice3A_79 = vector.extract_strided_slice %get3A_6 {offsets = [5], sizes = [1], strides = [1]} : vector<16xi32> to vector<1xi32>
      %squeeze3A_80 = vector.extract %slice3A_79[0] : i32 from vector<1xi32>
      %dma_start3A_81 = arith.constant 0 : i32
      %dma_start3A_82 = arith.constant 5 : i32
      %dma_start3A_83 = arith.constant 0 : i32
      %dma_start3A_84 = tpu.memref_slice %arg6[%dma_start3A_82, %dma_start3A_83] : memref<16x64xf32, #tpu.memory_space<vmem>> -> memref<1x64xf32, #tpu.memory_space<vmem>>
      %dma_start3A_85 = arith.constant 0 : i32
      %dma_start3A_86 = tpu.memref_slice %arg2[%dma_start3A_81, %squeeze3A_80, %dma_start3A_85] : memref<1x16384x64xf32, #tpu.memory_space<hbm>> -> memref<1x1x64xf32, #tpu.memory_space<hbm>>
      %dma_start3A_87 = tpu.memref_squeeze %dma_start3A_86 : memref<1x1x64xf32, #tpu.memory_space<hbm>> -> memref<1x64xf32, #tpu.memory_space<hbm>>
      %dma_start3A_88 = arith.constant 5 : i32
      %dma_start3A_89 = arith.constant 0 : i32
      %dma_start3A_90 = tpu.memref_slice %arg6[%dma_start3A_88, %dma_start3A_89] : memref<16x64xf32, #tpu.memory_space<vmem>> -> memref<1x64xf32, #tpu.memory_space<vmem>>
      %dma_start3A_91 = arith.constant 0 : i32
      %dma_start3A_92 = tpu.memref_slice %arg2[%dma_start3A_81, %squeeze3A_80, %dma_start3A_91] : memref<1x16384x64xf32, #tpu.memory_space<hbm>> -> memref<1x1x64xf32, #tpu.memory_space<hbm>>
      %dma_start3A_93 = tpu.memref_squeeze %dma_start3A_92 : memref<1x1x64xf32, #tpu.memory_space<hbm>> -> memref<1x64xf32, #tpu.memory_space<hbm>>
      tpu.enqueue_dma source(%dma_start3A_93 : memref<1x64xf32, #tpu.memory_space<hbm>>) target(%dma_start3A_90 : memref<1x64xf32, #tpu.memory_space<vmem>>) target_semaphore(%arg7 : memref<!tpu.dma_semaphore, #tpu.memory_space<semaphore_mem>>)
      %slice3A_94 = vector.extract_strided_slice %get3A_6 {offsets = [6], sizes = [1], strides = [1]} : vector<16xi32> to vector<1xi32>
      %squeeze3A_95 = vector.extract %slice3A_94[0] : i32 from vector<1xi32>
      %dma_start3A_96 = arith.constant 0 : i32
      %dma_start3A_97 = arith.constant 6 : i32
      %dma_start3A_98 = arith.constant 0 : i32
      %dma_start3A_99 = tpu.memref_slice %arg6[%dma_start3A_97, %dma_start3A_98] : memref<16x64xf32, #tpu.memory_space<vmem>> -> memref<1x64xf32, #tpu.memory_space<vmem>>
      %dma_start3A_100 = arith.constant 0 : i32
      %dma_start3A_101 = tpu.memref_slice %arg2[%dma_start3A_96, %squeeze3A_95, %dma_start3A_100] : memref<1x16384x64xf32, #tpu.memory_space<hbm>> -> memref<1x1x64xf32, #tpu.memory_space<hbm>>
      %dma_start3A_102 = tpu.memref_squeeze %dma_start3A_101 : memref<1x1x64xf32, #tpu.memory_space<hbm>> -> memref<1x64xf32, #tpu.memory_space<hbm>>
      %dma_start3A_103 = arith.constant 6 : i32
      %dma_start3A_104 = arith.constant 0 : i32
      %dma_start3A_105 = tpu.memref_slice %arg6[%dma_start3A_103, %dma_start3A_104] : memref<16x64xf32, #tpu.memory_space<vmem>> -> memref<1x64xf32, #tpu.memory_space<vmem>>
      %dma_start3A_106 = arith.constant 0 : i32
      %dma_start3A_107 = tpu.memref_slice %arg2[%dma_start3A_96, %squeeze3A_95, %dma_start3A_106] : memref<1x16384x64xf32, #tpu.memory_space<hbm>> -> memref<1x1x64xf32, #tpu.memory_space<hbm>>
      %dma_start3A_108 = tpu.memref_squeeze %dma_start3A_107 : memref<1x1x64xf32, #tpu.memory_space<hbm>> -> memref<1x64xf32, #tpu.memory_space<hbm>>
      tpu.enqueue_dma source(%dma_start3A_108 : memref<1x64xf32, #tpu.memory_space<hbm>>) target(%dma_start3A_105 : memref<1x64xf32, #tpu.memory_space<vmem>>) target_semaphore(%arg7 : memref<!tpu.dma_semaphore, #tpu.memory_space<semaphore_mem>>)
      %slice3A_109 = vector.extract_strided_slice %get3A_6 {offsets = [7], sizes = [1], strides = [1]} : vector<16xi32> to vector<1xi32>
      %squeeze3A_110 = vector.extract %slice3A_109[0] : i32 from vector<1xi32>
      %dma_start3A_111 = arith.constant 0 : i32
      %dma_start3A_112 = arith.constant 7 : i32
      %dma_start3A_113 = arith.constant 0 : i32
      %dma_start3A_114 = tpu.memref_slice %arg6[%dma_start3A_112, %dma_start3A_113] : memref<16x64xf32, #tpu.memory_space<vmem>> -> memref<1x64xf32, #tpu.memory_space<vmem>>
      %dma_start3A_115 = arith.constant 0 : i32
      %dma_start3A_116 = tpu.memref_slice %arg2[%dma_start3A_111, %squeeze3A_110, %dma_start3A_115] : memref<1x16384x64xf32, #tpu.memory_space<hbm>> -> memref<1x1x64xf32, #tpu.memory_space<hbm>>
      %dma_start3A_117 = tpu.memref_squeeze %dma_start3A_116 : memref<1x1x64xf32, #tpu.memory_space<hbm>> -> memref<1x64xf32, #tpu.memory_space<hbm>>
      %dma_start3A_118 = arith.constant 7 : i32
      %dma_start3A_119 = arith.constant 0 : i32
      %dma_start3A_120 = tpu.memref_slice %arg6[%dma_start3A_118, %dma_start3A_119] : memref<16x64xf32, #tpu.memory_space<vmem>> -> memref<1x64xf32, #tpu.memory_space<vmem>>
      %dma_start3A_121 = arith.constant 0 : i32
      %dma_start3A_122 = tpu.memref_slice %arg2[%dma_start3A_111, %squeeze3A_110, %dma_start3A_121] : memref<1x16384x64xf32, #tpu.memory_space<hbm>> -> memref<1x1x64xf32, #tpu.memory_space<hbm>>
      %dma_start3A_123 = tpu.memref_squeeze %dma_start3A_122 : memref<1x1x64xf32, #tpu.memory_space<hbm>> -> memref<1x64xf32, #tpu.memory_space<hbm>>
      tpu.enqueue_dma source(%dma_start3A_123 : memref<1x64xf32, #tpu.memory_space<hbm>>) target(%dma_start3A_120 : memref<1x64xf32, #tpu.memory_space<vmem>>) target_semaphore(%arg7 : memref<!tpu.dma_semaphore, #tpu.memory_space<semaphore_mem>>)
      %slice3A_124 = vector.extract_strided_slice %get3A_6 {offsets = [8], sizes = [1], strides = [1]} : vector<16xi32> to vector<1xi32>
      %squeeze3A_125 = vector.extract %slice3A_124[0] : i32 from vector<1xi32>
      %dma_start3A_126 = arith.constant 0 : i32
      %dma_start3A_127 = arith.constant 8 : i32
      %dma_start3A_128 = arith.constant 0 : i32
      %dma_start3A_129 = tpu.memref_slice %arg6[%dma_start3A_127, %dma_start3A_128] : memref<16x64xf32, #tpu.memory_space<vmem>> -> memref<1x64xf32, #tpu.memory_space<vmem>>
      %dma_start3A_130 = arith.constant 0 : i32
      %dma_start3A_131 = tpu.memref_slice %arg2[%dma_start3A_126, %squeeze3A_125, %dma_start3A_130] : memref<1x16384x64xf32, #tpu.memory_space<hbm>> -> memref<1x1x64xf32, #tpu.memory_space<hbm>>
      %dma_start3A_132 = tpu.memref_squeeze %dma_start3A_131 : memref<1x1x64xf32, #tpu.memory_space<hbm>> -> memref<1x64xf32, #tpu.memory_space<hbm>>
      %dma_start3A_133 = arith.constant 8 : i32
      %dma_start3A_134 = arith.constant 0 : i32
      %dma_start3A_135 = tpu.memref_slice %arg6[%dma_start3A_133, %dma_start3A_134] : memref<16x64xf32, #tpu.memory_space<vmem>> -> memref<1x64xf32, #tpu.memory_space<vmem>>
      %dma_start3A_136 = arith.constant 0 : i32
      %dma_start3A_137 = tpu.memref_slice %arg2[%dma_start3A_126, %squeeze3A_125, %dma_start3A_136] : memref<1x16384x64xf32, #tpu.memory_space<hbm>> -> memref<1x1x64xf32, #tpu.memory_space<hbm>>
      %dma_start3A_138 = tpu.memref_squeeze %dma_start3A_137 : memref<1x1x64xf32, #tpu.memory_space<hbm>> -> memref<1x64xf32, #tpu.memory_space<hbm>>
      tpu.enqueue_dma source(%dma_start3A_138 : memref<1x64xf32, #tpu.memory_space<hbm>>) target(%dma_start3A_135 : memref<1x64xf32, #tpu.memory_space<vmem>>) target_semaphore(%arg7 : memref<!tpu.dma_semaphore, #tpu.memory_space<semaphore_mem>>)
      %slice3A_139 = vector.extract_strided_slice %get3A_6 {offsets = [9], sizes = [1], strides = [1]} : vector<16xi32> to vector<1xi32>
      %squeeze3A_140 = vector.extract %slice3A_139[0] : i32 from vector<1xi32>
      %dma_start3A_141 = arith.constant 0 : i32
      %dma_start3A_142 = arith.constant 9 : i32
      %dma_start3A_143 = arith.constant 0 : i32
      %dma_start3A_144 = tpu.memref_slice %arg6[%dma_start3A_142, %dma_start3A_143] : memref<16x64xf32, #tpu.memory_space<vmem>> -> memref<1x64xf32, #tpu.memory_space<vmem>>
      %dma_start3A_145 = arith.constant 0 : i32
      %dma_start3A_146 = tpu.memref_slice %arg2[%dma_start3A_141, %squeeze3A_140, %dma_start3A_145] : memref<1x16384x64xf32, #tpu.memory_space<hbm>> -> memref<1x1x64xf32, #tpu.memory_space<hbm>>
      %dma_start3A_147 = tpu.memref_squeeze %dma_start3A_146 : memref<1x1x64xf32, #tpu.memory_space<hbm>> -> memref<1x64xf32, #tpu.memory_space<hbm>>
      %dma_start3A_148 = arith.constant 9 : i32
      %dma_start3A_149 = arith.constant 0 : i32
      %dma_start3A_150 = tpu.memref_slice %arg6[%dma_start3A_148, %dma_start3A_149] : memref<16x64xf32, #tpu.memory_space<vmem>> -> memref<1x64xf32, #tpu.memory_space<vmem>>
      %dma_start3A_151 = arith.constant 0 : i32
      %dma_start3A_152 = tpu.memref_slice %arg2[%dma_start3A_141, %squeeze3A_140, %dma_start3A_151] : memref<1x16384x64xf32, #tpu.memory_space<hbm>> -> memref<1x1x64xf32, #tpu.memory_space<hbm>>
      %dma_start3A_153 = tpu.memref_squeeze %dma_start3A_152 : memref<1x1x64xf32, #tpu.memory_space<hbm>> -> memref<1x64xf32, #tpu.memory_space<hbm>>
      tpu.enqueue_dma source(%dma_start3A_153 : memref<1x64xf32, #tpu.memory_space<hbm>>) target(%dma_start3A_150 : memref<1x64xf32, #tpu.memory_space<vmem>>) target_semaphore(%arg7 : memref<!tpu.dma_semaphore, #tpu.memory_space<semaphore_mem>>)
      %slice3A_154 = vector.extract_strided_slice %get3A_6 {offsets = [10], sizes = [1], strides = [1]} : vector<16xi32> to vector<1xi32>
      %squeeze3A_155 = vector.extract %slice3A_154[0] : i32 from vector<1xi32>
      %dma_start3A_156 = arith.constant 0 : i32
      %dma_start3A_157 = arith.constant 10 : i32
      %dma_start3A_158 = arith.constant 0 : i32
      %dma_start3A_159 = tpu.memref_slice %arg6[%dma_start3A_157, %dma_start3A_158] : memref<16x64xf32, #tpu.memory_space<vmem>> -> memref<1x64xf32, #tpu.memory_space<vmem>>
      %dma_start3A_160 = arith.constant 0 : i32
      %dma_start3A_161 = tpu.memref_slice %arg2[%dma_start3A_156, %squeeze3A_155, %dma_start3A_160] : memref<1x16384x64xf32, #tpu.memory_space<hbm>> -> memref<1x1x64xf32, #tpu.memory_space<hbm>>
      %dma_start3A_162 = tpu.memref_squeeze %dma_start3A_161 : memref<1x1x64xf32, #tpu.memory_space<hbm>> -> memref<1x64xf32, #tpu.memory_space<hbm>>
      %dma_start3A_163 = arith.constant 10 : i32
      %dma_start3A_164 = arith.constant 0 : i32
      %dma_start3A_165 = tpu.memref_slice %arg6[%dma_start3A_163, %dma_start3A_164] : memref<16x64xf32, #tpu.memory_space<vmem>> -> memref<1x64xf32, #tpu.memory_space<vmem>>
      %dma_start3A_166 = arith.constant 0 : i32
      %dma_start3A_167 = tpu.memref_slice %arg2[%dma_start3A_156, %squeeze3A_155, %dma_start3A_166] : memref<1x16384x64xf32, #tpu.memory_space<hbm>> -> memref<1x1x64xf32, #tpu.memory_space<hbm>>
      %dma_start3A_168 = tpu.memref_squeeze %dma_start3A_167 : memref<1x1x64xf32, #tpu.memory_space<hbm>> -> memref<1x64xf32, #tpu.memory_space<hbm>>
      tpu.enqueue_dma source(%dma_start3A_168 : memref<1x64xf32, #tpu.memory_space<hbm>>) target(%dma_start3A_165 : memref<1x64xf32, #tpu.memory_space<vmem>>) target_semaphore(%arg7 : memref<!tpu.dma_semaphore, #tpu.memory_space<semaphore_mem>>)
      %slice3A_169 = vector.extract_strided_slice %get3A_6 {offsets = [11], sizes = [1], strides = [1]} : vector<16xi32> to vector<1xi32>
      %squeeze3A_170 = vector.extract %slice3A_169[0] : i32 from vector<1xi32>
      %dma_start3A_171 = arith.constant 0 : i32
      %dma_start3A_172 = arith.constant 11 : i32
      %dma_start3A_173 = arith.constant 0 : i32
      %dma_start3A_174 = tpu.memref_slice %arg6[%dma_start3A_172, %dma_start3A_173] : memref<16x64xf32, #tpu.memory_space<vmem>> -> memref<1x64xf32, #tpu.memory_space<vmem>>
      %dma_start3A_175 = arith.constant 0 : i32
      %dma_start3A_176 = tpu.memref_slice %arg2[%dma_start3A_171, %squeeze3A_170, %dma_start3A_175] : memref<1x16384x64xf32, #tpu.memory_space<hbm>> -> memref<1x1x64xf32, #tpu.memory_space<hbm>>
      %dma_start3A_177 = tpu.memref_squeeze %dma_start3A_176 : memref<1x1x64xf32, #tpu.memory_space<hbm>> -> memref<1x64xf32, #tpu.memory_space<hbm>>
      %dma_start3A_178 = arith.constant 11 : i32
      %dma_start3A_179 = arith.constant 0 : i32
      %dma_start3A_180 = tpu.memref_slice %arg6[%dma_start3A_178, %dma_start3A_179] : memref<16x64xf32, #tpu.memory_space<vmem>> -> memref<1x64xf32, #tpu.memory_space<vmem>>
      %dma_start3A_181 = arith.constant 0 : i32
      %dma_start3A_182 = tpu.memref_slice %arg2[%dma_start3A_171, %squeeze3A_170, %dma_start3A_181] : memref<1x16384x64xf32, #tpu.memory_space<hbm>> -> memref<1x1x64xf32, #tpu.memory_space<hbm>>
      %dma_start3A_183 = tpu.memref_squeeze %dma_start3A_182 : memref<1x1x64xf32, #tpu.memory_space<hbm>> -> memref<1x64xf32, #tpu.memory_space<hbm>>
      tpu.enqueue_dma source(%dma_start3A_183 : memref<1x64xf32, #tpu.memory_space<hbm>>) target(%dma_start3A_180 : memref<1x64xf32, #tpu.memory_space<vmem>>) target_semaphore(%arg7 : memref<!tpu.dma_semaphore, #tpu.memory_space<semaphore_mem>>)
      %slice3A_184 = vector.extract_strided_slice %get3A_6 {offsets = [12], sizes = [1], strides = [1]} : vector<16xi32> to vector<1xi32>
      %squeeze3A_185 = vector.extract %slice3A_184[0] : i32 from vector<1xi32>
      %dma_start3A_186 = arith.constant 0 : i32
      %dma_start3A_187 = arith.constant 12 : i32
      %dma_start3A_188 = arith.constant 0 : i32
      %dma_start3A_189 = tpu.memref_slice %arg6[%dma_start3A_187, %dma_start3A_188] : memref<16x64xf32, #tpu.memory_space<vmem>> -> memref<1x64xf32, #tpu.memory_space<vmem>>
      %dma_start3A_190 = arith.constant 0 : i32
      %dma_start3A_191 = tpu.memref_slice %arg2[%dma_start3A_186, %squeeze3A_185, %dma_start3A_190] : memref<1x16384x64xf32, #tpu.memory_space<hbm>> -> memref<1x1x64xf32, #tpu.memory_space<hbm>>
      %dma_start3A_192 = tpu.memref_squeeze %dma_start3A_191 : memref<1x1x64xf32, #tpu.memory_space<hbm>> -> memref<1x64xf32, #tpu.memory_space<hbm>>
      %dma_start3A_193 = arith.constant 12 : i32
      %dma_start3A_194 = arith.constant 0 : i32
      %dma_start3A_195 = tpu.memref_slice %arg6[%dma_start3A_193, %dma_start3A_194] : memref<16x64xf32, #tpu.memory_space<vmem>> -> memref<1x64xf32, #tpu.memory_space<vmem>>
      %dma_start3A_196 = arith.constant 0 : i32
      %dma_start3A_197 = tpu.memref_slice %arg2[%dma_start3A_186, %squeeze3A_185, %dma_start3A_196] : memref<1x16384x64xf32, #tpu.memory_space<hbm>> -> memref<1x1x64xf32, #tpu.memory_space<hbm>>
      %dma_start3A_198 = tpu.memref_squeeze %dma_start3A_197 : memref<1x1x64xf32, #tpu.memory_space<hbm>> -> memref<1x64xf32, #tpu.memory_space<hbm>>
      tpu.enqueue_dma source(%dma_start3A_198 : memref<1x64xf32, #tpu.memory_space<hbm>>) target(%dma_start3A_195 : memref<1x64xf32, #tpu.memory_space<vmem>>) target_semaphore(%arg7 : memref<!tpu.dma_semaphore, #tpu.memory_space<semaphore_mem>>)
      %slice3A_199 = vector.extract_strided_slice %get3A_6 {offsets = [13], sizes = [1], strides = [1]} : vector<16xi32> to vector<1xi32>
      %squeeze3A_200 = vector.extract %slice3A_199[0] : i32 from vector<1xi32>
      %dma_start3A_201 = arith.constant 0 : i32
      %dma_start3A_202 = arith.constant 13 : i32
      %dma_start3A_203 = arith.constant 0 : i32
      %dma_start3A_204 = tpu.memref_slice %arg6[%dma_start3A_202, %dma_start3A_203] : memref<16x64xf32, #tpu.memory_space<vmem>> -> memref<1x64xf32, #tpu.memory_space<vmem>>
      %dma_start3A_205 = arith.constant 0 : i32
      %dma_start3A_206 = tpu.memref_slice %arg2[%dma_start3A_201, %squeeze3A_200, %dma_start3A_205] : memref<1x16384x64xf32, #tpu.memory_space<hbm>> -> memref<1x1x64xf32, #tpu.memory_space<hbm>>
      %dma_start3A_207 = tpu.memref_squeeze %dma_start3A_206 : memref<1x1x64xf32, #tpu.memory_space<hbm>> -> memref<1x64xf32, #tpu.memory_space<hbm>>
      %dma_start3A_208 = arith.constant 13 : i32
      %dma_start3A_209 = arith.constant 0 : i32
      %dma_start3A_210 = tpu.memref_slice %arg6[%dma_start3A_208, %dma_start3A_209] : memref<16x64xf32, #tpu.memory_space<vmem>> -> memref<1x64xf32, #tpu.memory_space<vmem>>
      %dma_start3A_211 = arith.constant 0 : i32
      %dma_start3A_212 = tpu.memref_slice %arg2[%dma_start3A_201, %squeeze3A_200, %dma_start3A_211] : memref<1x16384x64xf32, #tpu.memory_space<hbm>> -> memref<1x1x64xf32, #tpu.memory_space<hbm>>
      %dma_start3A_213 = tpu.memref_squeeze %dma_start3A_212 : memref<1x1x64xf32, #tpu.memory_space<hbm>> -> memref<1x64xf32, #tpu.memory_space<hbm>>
      tpu.enqueue_dma source(%dma_start3A_213 : memref<1x64xf32, #tpu.memory_space<hbm>>) target(%dma_start3A_210 : memref<1x64xf32, #tpu.memory_space<vmem>>) target_semaphore(%arg7 : memref<!tpu.dma_semaphore, #tpu.memory_space<semaphore_mem>>)
      %slice3A_214 = vector.extract_strided_slice %get3A_6 {offsets = [14], sizes = [1], strides = [1]} : vector<16xi32> to vector<1xi32>
      %squeeze3A_215 = vector.extract %slice3A_214[0] : i32 from vector<1xi32>
      %dma_start3A_216 = arith.constant 0 : i32
      %dma_start3A_217 = arith.constant 14 : i32
      %dma_start3A_218 = arith.constant 0 : i32
      %dma_start3A_219 = tpu.memref_slice %arg6[%dma_start3A_217, %dma_start3A_218] : memref<16x64xf32, #tpu.memory_space<vmem>> -> memref<1x64xf32, #tpu.memory_space<vmem>>
      %dma_start3A_220 = arith.constant 0 : i32
      %dma_start3A_221 = tpu.memref_slice %arg2[%dma_start3A_216, %squeeze3A_215, %dma_start3A_220] : memref<1x16384x64xf32, #tpu.memory_space<hbm>> -> memref<1x1x64xf32, #tpu.memory_space<hbm>>
      %dma_start3A_222 = tpu.memref_squeeze %dma_start3A_221 : memref<1x1x64xf32, #tpu.memory_space<hbm>> -> memref<1x64xf32, #tpu.memory_space<hbm>>
      %dma_start3A_223 = arith.constant 14 : i32
      %dma_start3A_224 = arith.constant 0 : i32
      %dma_start3A_225 = tpu.memref_slice %arg6[%dma_start3A_223, %dma_start3A_224] : memref<16x64xf32, #tpu.memory_space<vmem>> -> memref<1x64xf32, #tpu.memory_space<vmem>>
      %dma_start3A_226 = arith.constant 0 : i32
      %dma_start3A_227 = tpu.memref_slice %arg2[%dma_start3A_216, %squeeze3A_215, %dma_start3A_226] : memref<1x16384x64xf32, #tpu.memory_space<hbm>> -> memref<1x1x64xf32, #tpu.memory_space<hbm>>
      %dma_start3A_228 = tpu.memref_squeeze %dma_start3A_227 : memref<1x1x64xf32, #tpu.memory_space<hbm>> -> memref<1x64xf32, #tpu.memory_space<hbm>>
      tpu.enqueue_dma source(%dma_start3A_228 : memref<1x64xf32, #tpu.memory_space<hbm>>) target(%dma_start3A_225 : memref<1x64xf32, #tpu.memory_space<vmem>>) target_semaphore(%arg7 : memref<!tpu.dma_semaphore, #tpu.memory_space<semaphore_mem>>)
      %slice3A_229 = vector.extract_strided_slice %get3A_6 {offsets = [15], sizes = [1], strides = [1]} : vector<16xi32> to vector<1xi32>
      %squeeze3A_230 = vector.extract %slice3A_229[0] : i32 from vector<1xi32>
      %dma_start3A_231 = arith.constant 0 : i32
      %dma_start3A_232 = arith.constant 15 : i32
      %dma_start3A_233 = arith.constant 0 : i32
      %dma_start3A_234 = tpu.memref_slice %arg6[%dma_start3A_232, %dma_start3A_233] : memref<16x64xf32, #tpu.memory_space<vmem>> -> memref<1x64xf32, #tpu.memory_space<vmem>>
      %dma_start3A_235 = arith.constant 0 : i32
      %dma_start3A_236 = tpu.memref_slice %arg2[%dma_start3A_231, %squeeze3A_230, %dma_start3A_235] : memref<1x16384x64xf32, #tpu.memory_space<hbm>> -> memref<1x1x64xf32, #tpu.memory_space<hbm>>
      %dma_start3A_237 = tpu.memref_squeeze %dma_start3A_236 : memref<1x1x64xf32, #tpu.memory_space<hbm>> -> memref<1x64xf32, #tpu.memory_space<hbm>>
      %dma_start3A_238 = arith.constant 15 : i32
      %dma_start3A_239 = arith.constant 0 : i32
      %dma_start3A_240 = tpu.memref_slice %arg6[%dma_start3A_238, %dma_start3A_239] : memref<16x64xf32, #tpu.memory_space<vmem>> -> memref<1x64xf32, #tpu.memory_space<vmem>>
      %dma_start3A_241 = arith.constant 0 : i32
      %dma_start3A_242 = tpu.memref_slice %arg2[%dma_start3A_231, %squeeze3A_230, %dma_start3A_241] : memref<1x16384x64xf32, #tpu.memory_space<hbm>> -> memref<1x1x64xf32, #tpu.memory_space<hbm>>
      %dma_start3A_243 = tpu.memref_squeeze %dma_start3A_242 : memref<1x1x64xf32, #tpu.memory_space<hbm>> -> memref<1x64xf32, #tpu.memory_space<hbm>>
      tpu.enqueue_dma source(%dma_start3A_243 : memref<1x64xf32, #tpu.memory_space<hbm>>) target(%dma_start3A_240 : memref<1x64xf32, #tpu.memory_space<vmem>>) target_semaphore(%arg7 : memref<!tpu.dma_semaphore, #tpu.memory_space<semaphore_mem>>)
      %dma_wait3A = arith.constant 0 : i32
      %dma_wait3A_244 = arith.constant 0 : i32
      %dma_wait3A_245 = arith.constant 0 : i32
      %dma_wait3A_246 = tpu.memref_slice %arg6[%dma_wait3A_244, %dma_wait3A_245] : memref<16x64xf32, #tpu.memory_space<vmem>> -> memref<1x64xf32, #tpu.memory_space<vmem>>
      %dma_wait3A_247 = arith.constant 0 : i32
      %dma_wait3A_248 = tpu.memref_slice %arg2[%dma_wait3A, %squeeze3A, %dma_wait3A_247] : memref<1x16384x64xf32, #tpu.memory_space<hbm>> -> memref<1x1x64xf32, #tpu.memory_space<hbm>>
      %dma_wait3A_249 = tpu.memref_squeeze %dma_wait3A_248 : memref<1x1x64xf32, #tpu.memory_space<hbm>> -> memref<1x64xf32, #tpu.memory_space<hbm>>
      %dma_wait3A_250 = arith.constant 0 : i32
      %dma_wait3A_251 = arith.constant 0 : i32
      %dma_wait3A_252 = tpu.memref_slice %arg6[%dma_wait3A_250, %dma_wait3A_251] : memref<16x64xf32, #tpu.memory_space<vmem>> -> memref<1x64xf32, #tpu.memory_space<vmem>>
      %dma_wait3A_253 = arith.constant 0 : i32
      %dma_wait3A_254 = tpu.memref_slice %arg2[%dma_wait3A, %squeeze3A, %dma_wait3A_253] : memref<1x16384x64xf32, #tpu.memory_space<hbm>> -> memref<1x1x64xf32, #tpu.memory_space<hbm>>
      %dma_wait3A_255 = tpu.memref_squeeze %dma_wait3A_254 : memref<1x1x64xf32, #tpu.memory_space<hbm>> -> memref<1x64xf32, #tpu.memory_space<hbm>>
      tpu.wait_dma2 semaphore(%arg7 : memref<!tpu.dma_semaphore, #tpu.memory_space<semaphore_mem>>) src(%dma_wait3A_255 : memref<1x64xf32, #tpu.memory_space<hbm>>) dst(%dma_wait3A_252 : memref<1x64xf32, #tpu.memory_space<vmem>>)
      %dma_wait3A_256 = arith.constant 0 : i32
      %dma_wait3A_257 = arith.constant 1 : i32
      %dma_wait3A_258 = arith.constant 0 : i32
      %dma_wait3A_259 = tpu.memref_slice %arg6[%dma_wait3A_257, %dma_wait3A_258] : memref<16x64xf32, #tpu.memory_space<vmem>> -> memref<1x64xf32, #tpu.memory_space<vmem>>
      %dma_wait3A_260 = arith.constant 0 : i32
      %dma_wait3A_261 = tpu.memref_slice %arg2[%dma_wait3A_256, %squeeze3A_20, %dma_wait3A_260] : memref<1x16384x64xf32, #tpu.memory_space<hbm>> -> memref<1x1x64xf32, #tpu.memory_space<hbm>>
      %dma_wait3A_262 = tpu.memref_squeeze %dma_wait3A_261 : memref<1x1x64xf32, #tpu.memory_space<hbm>> -> memref<1x64xf32, #tpu.memory_space<hbm>>
      %dma_wait3A_263 = arith.constant 1 : i32
      %dma_wait3A_264 = arith.constant 0 : i32
      %dma_wait3A_265 = tpu.memref_slice %arg6[%dma_wait3A_263, %dma_wait3A_264] : memref<16x64xf32, #tpu.memory_space<vmem>> -> memref<1x64xf32, #tpu.memory_space<vmem>>
      %dma_wait3A_266 = arith.constant 0 : i32
      %dma_wait3A_267 = tpu.memref_slice %arg2[%dma_wait3A_256, %squeeze3A_20, %dma_wait3A_266] : memref<1x16384x64xf32, #tpu.memory_space<hbm>> -> memref<1x1x64xf32, #tpu.memory_space<hbm>>
      %dma_wait3A_268 = tpu.memref_squeeze %dma_wait3A_267 : memref<1x1x64xf32, #tpu.memory_space<hbm>> -> memref<1x64xf32, #tpu.memory_space<hbm>>
      tpu.wait_dma2 semaphore(%arg7 : memref<!tpu.dma_semaphore, #tpu.memory_space<semaphore_mem>>) src(%dma_wait3A_268 : memref<1x64xf32, #tpu.memory_space<hbm>>) dst(%dma_wait3A_265 : memref<1x64xf32, #tpu.memory_space<vmem>>)
      %dma_wait3A_269 = arith.constant 0 : i32
      %dma_wait3A_270 = arith.constant 2 : i32
      %dma_wait3A_271 = arith.constant 0 : i32
      %dma_wait3A_272 = tpu.memref_slice %arg6[%dma_wait3A_270, %dma_wait3A_271] : memref<16x64xf32, #tpu.memory_space<vmem>> -> memref<1x64xf32, #tpu.memory_space<vmem>>
      %dma_wait3A_273 = arith.constant 0 : i32
      %dma_wait3A_274 = tpu.memref_slice %arg2[%dma_wait3A_269, %squeeze3A_35, %dma_wait3A_273] : memref<1x16384x64xf32, #tpu.memory_space<hbm>> -> memref<1x1x64xf32, #tpu.memory_space<hbm>>
      %dma_wait3A_275 = tpu.memref_squeeze %dma_wait3A_274 : memref<1x1x64xf32, #tpu.memory_space<hbm>> -> memref<1x64xf32, #tpu.memory_space<hbm>>
      %dma_wait3A_276 = arith.constant 2 : i32
      %dma_wait3A_277 = arith.constant 0 : i32
      %dma_wait3A_278 = tpu.memref_slice %arg6[%dma_wait3A_276, %dma_wait3A_277] : memref<16x64xf32, #tpu.memory_space<vmem>> -> memref<1x64xf32, #tpu.memory_space<vmem>>
      %dma_wait3A_279 = arith.constant 0 : i32
      %dma_wait3A_280 = tpu.memref_slice %arg2[%dma_wait3A_269, %squeeze3A_35, %dma_wait3A_279] : memref<1x16384x64xf32, #tpu.memory_space<hbm>> -> memref<1x1x64xf32, #tpu.memory_space<hbm>>
      %dma_wait3A_281 = tpu.memref_squeeze %dma_wait3A_280 : memref<1x1x64xf32, #tpu.memory_space<hbm>> -> memref<1x64xf32, #tpu.memory_space<hbm>>
      tpu.wait_dma2 semaphore(%arg7 : memref<!tpu.dma_semaphore, #tpu.memory_space<semaphore_mem>>) src(%dma_wait3A_281 : memref<1x64xf32, #tpu.memory_space<hbm>>) dst(%dma_wait3A_278 : memref<1x64xf32, #tpu.memory_space<vmem>>)
      %dma_wait3A_282 = arith.constant 0 : i32
      %dma_wait3A_283 = arith.constant 3 : i32
      %dma_wait3A_284 = arith.constant 0 : i32
      %dma_wait3A_285 = tpu.memref_slice %arg6[%dma_wait3A_283, %dma_wait3A_284] : memref<16x64xf32, #tpu.memory_space<vmem>> -> memref<1x64xf32, #tpu.memory_space<vmem>>
      %dma_wait3A_286 = arith.constant 0 : i32
      %dma_wait3A_287 = tpu.memref_slice %arg2[%dma_wait3A_282, %squeeze3A_50, %dma_wait3A_286] : memref<1x16384x64xf32, #tpu.memory_space<hbm>> -> memref<1x1x64xf32, #tpu.memory_space<hbm>>
      %dma_wait3A_288 = tpu.memref_squeeze %dma_wait3A_287 : memref<1x1x64xf32, #tpu.memory_space<hbm>> -> memref<1x64xf32, #tpu.memory_space<hbm>>
      %dma_wait3A_289 = arith.constant 3 : i32
      %dma_wait3A_290 = arith.constant 0 : i32
      %dma_wait3A_291 = tpu.memref_slice %arg6[%dma_wait3A_289, %dma_wait3A_290] : memref<16x64xf32, #tpu.memory_space<vmem>> -> memref<1x64xf32, #tpu.memory_space<vmem>>
      %dma_wait3A_292 = arith.constant 0 : i32
      %dma_wait3A_293 = tpu.memref_slice %arg2[%dma_wait3A_282, %squeeze3A_50, %dma_wait3A_292] : memref<1x16384x64xf32, #tpu.memory_space<hbm>> -> memref<1x1x64xf32, #tpu.memory_space<hbm>>
      %dma_wait3A_294 = tpu.memref_squeeze %dma_wait3A_293 : memref<1x1x64xf32, #tpu.memory_space<hbm>> -> memref<1x64xf32, #tpu.memory_space<hbm>>
      tpu.wait_dma2 semaphore(%arg7 : memref<!tpu.dma_semaphore, #tpu.memory_space<semaphore_mem>>) src(%dma_wait3A_294 : memref<1x64xf32, #tpu.memory_space<hbm>>) dst(%dma_wait3A_291 : memref<1x64xf32, #tpu.memory_space<vmem>>)
      %dma_wait3A_295 = arith.constant 0 : i32
      %dma_wait3A_296 = arith.constant 4 : i32
      %dma_wait3A_297 = arith.constant 0 : i32
      %dma_wait3A_298 = tpu.memref_slice %arg6[%dma_wait3A_296, %dma_wait3A_297] : memref<16x64xf32, #tpu.memory_space<vmem>> -> memref<1x64xf32, #tpu.memory_space<vmem>>
      %dma_wait3A_299 = arith.constant 0 : i32
      %dma_wait3A_300 = tpu.memref_slice %arg2[%dma_wait3A_295, %squeeze3A_65, %dma_wait3A_299] : memref<1x16384x64xf32, #tpu.memory_space<hbm>> -> memref<1x1x64xf32, #tpu.memory_space<hbm>>
      %dma_wait3A_301 = tpu.memref_squeeze %dma_wait3A_300 : memref<1x1x64xf32, #tpu.memory_space<hbm>> -> memref<1x64xf32, #tpu.memory_space<hbm>>
      %dma_wait3A_302 = arith.constant 4 : i32
      %dma_wait3A_303 = arith.constant 0 : i32
      %dma_wait3A_304 = tpu.memref_slice %arg6[%dma_wait3A_302, %dma_wait3A_303] : memref<16x64xf32, #tpu.memory_space<vmem>> -> memref<1x64xf32, #tpu.memory_space<vmem>>
      %dma_wait3A_305 = arith.constant 0 : i32
      %dma_wait3A_306 = tpu.memref_slice %arg2[%dma_wait3A_295, %squeeze3A_65, %dma_wait3A_305] : memref<1x16384x64xf32, #tpu.memory_space<hbm>> -> memref<1x1x64xf32, #tpu.memory_space<hbm>>
      %dma_wait3A_307 = tpu.memref_squeeze %dma_wait3A_306 : memref<1x1x64xf32, #tpu.memory_space<hbm>> -> memref<1x64xf32, #tpu.memory_space<hbm>>
      tpu.wait_dma2 semaphore(%arg7 : memref<!tpu.dma_semaphore, #tpu.memory_space<semaphore_mem>>) src(%dma_wait3A_307 : memref<1x64xf32, #tpu.memory_space<hbm>>) dst(%dma_wait3A_304 : memref<1x64xf32, #tpu.memory_space<vmem>>)
      %dma_wait3A_308 = arith.constant 0 : i32
      %dma_wait3A_309 = arith.constant 5 : i32
      %dma_wait3A_310 = arith.constant 0 : i32
      %dma_wait3A_311 = tpu.memref_slice %arg6[%dma_wait3A_309, %dma_wait3A_310] : memref<16x64xf32, #tpu.memory_space<vmem>> -> memref<1x64xf32, #tpu.memory_space<vmem>>
      %dma_wait3A_312 = arith.constant 0 : i32
      %dma_wait3A_313 = tpu.memref_slice %arg2[%dma_wait3A_308, %squeeze3A_80, %dma_wait3A_312] : memref<1x16384x64xf32, #tpu.memory_space<hbm>> -> memref<1x1x64xf32, #tpu.memory_space<hbm>>
      %dma_wait3A_314 = tpu.memref_squeeze %dma_wait3A_313 : memref<1x1x64xf32, #tpu.memory_space<hbm>> -> memref<1x64xf32, #tpu.memory_space<hbm>>
      %dma_wait3A_315 = arith.constant 5 : i32
      %dma_wait3A_316 = arith.constant 0 : i32
      %dma_wait3A_317 = tpu.memref_slice %arg6[%dma_wait3A_315, %dma_wait3A_316] : memref<16x64xf32, #tpu.memory_space<vmem>> -> memref<1x64xf32, #tpu.memory_space<vmem>>
      %dma_wait3A_318 = arith.constant 0 : i32
      %dma_wait3A_319 = tpu.memref_slice %arg2[%dma_wait3A_308, %squeeze3A_80, %dma_wait3A_318] : memref<1x16384x64xf32, #tpu.memory_space<hbm>> -> memref<1x1x64xf32, #tpu.memory_space<hbm>>
      %dma_wait3A_320 = tpu.memref_squeeze %dma_wait3A_319 : memref<1x1x64xf32, #tpu.memory_space<hbm>> -> memref<1x64xf32, #tpu.memory_space<hbm>>
      tpu.wait_dma2 semaphore(%arg7 : memref<!tpu.dma_semaphore, #tpu.memory_space<semaphore_mem>>) src(%dma_wait3A_320 : memref<1x64xf32, #tpu.memory_space<hbm>>) dst(%dma_wait3A_317 : memref<1x64xf32, #tpu.memory_space<vmem>>)
      %dma_wait3A_321 = arith.constant 0 : i32
      %dma_wait3A_322 = arith.constant 6 : i32
      %dma_wait3A_323 = arith.constant 0 : i32
      %dma_wait3A_324 = tpu.memref_slice %arg6[%dma_wait3A_322, %dma_wait3A_323] : memref<16x64xf32, #tpu.memory_space<vmem>> -> memref<1x64xf32, #tpu.memory_space<vmem>>
      %dma_wait3A_325 = arith.constant 0 : i32
      %dma_wait3A_326 = tpu.memref_slice %arg2[%dma_wait3A_321, %squeeze3A_95, %dma_wait3A_325] : memref<1x16384x64xf32, #tpu.memory_space<hbm>> -> memref<1x1x64xf32, #tpu.memory_space<hbm>>
      %dma_wait3A_327 = tpu.memref_squeeze %dma_wait3A_326 : memref<1x1x64xf32, #tpu.memory_space<hbm>> -> memref<1x64xf32, #tpu.memory_space<hbm>>
      %dma_wait3A_328 = arith.constant 6 : i32
      %dma_wait3A_329 = arith.constant 0 : i32
      %dma_wait3A_330 = tpu.memref_slice %arg6[%dma_wait3A_328, %dma_wait3A_329] : memref<16x64xf32, #tpu.memory_space<vmem>> -> memref<1x64xf32, #tpu.memory_space<vmem>>
      %dma_wait3A_331 = arith.constant 0 : i32
      %dma_wait3A_332 = tpu.memref_slice %arg2[%dma_wait3A_321, %squeeze3A_95, %dma_wait3A_331] : memref<1x16384x64xf32, #tpu.memory_space<hbm>> -> memref<1x1x64xf32, #tpu.memory_space<hbm>>
      %dma_wait3A_333 = tpu.memref_squeeze %dma_wait3A_332 : memref<1x1x64xf32, #tpu.memory_space<hbm>> -> memref<1x64xf32, #tpu.memory_space<hbm>>
      tpu.wait_dma2 semaphore(%arg7 : memref<!tpu.dma_semaphore, #tpu.memory_space<semaphore_mem>>) src(%dma_wait3A_333 : memref<1x64xf32, #tpu.memory_space<hbm>>) dst(%dma_wait3A_330 : memref<1x64xf32, #tpu.memory_space<vmem>>)
      %dma_wait3A_334 = arith.constant 0 : i32
      %dma_wait3A_335 = arith.constant 7 : i32
      %dma_wait3A_336 = arith.constant 0 : i32
      %dma_wait3A_337 = tpu.memref_slice %arg6[%dma_wait3A_335, %dma_wait3A_336] : memref<16x64xf32, #tpu.memory_space<vmem>> -> memref<1x64xf32, #tpu.memory_space<vmem>>
      %dma_wait3A_338 = arith.constant 0 : i32
      %dma_wait3A_339 = tpu.memref_slice %arg2[%dma_wait3A_334, %squeeze3A_110, %dma_wait3A_338] : memref<1x16384x64xf32, #tpu.memory_space<hbm>> -> memref<1x1x64xf32, #tpu.memory_space<hbm>>
      %dma_wait3A_340 = tpu.memref_squeeze %dma_wait3A_339 : memref<1x1x64xf32, #tpu.memory_space<hbm>> -> memref<1x64xf32, #tpu.memory_space<hbm>>
      %dma_wait3A_341 = arith.constant 7 : i32
      %dma_wait3A_342 = arith.constant 0 : i32
      %dma_wait3A_343 = tpu.memref_slice %arg6[%dma_wait3A_341, %dma_wait3A_342] : memref<16x64xf32, #tpu.memory_space<vmem>> -> memref<1x64xf32, #tpu.memory_space<vmem>>
      %dma_wait3A_344 = arith.constant 0 : i32
      %dma_wait3A_345 = tpu.memref_slice %arg2[%dma_wait3A_334, %squeeze3A_110, %dma_wait3A_344] : memref<1x16384x64xf32, #tpu.memory_space<hbm>> -> memref<1x1x64xf32, #tpu.memory_space<hbm>>
      %dma_wait3A_346 = tpu.memref_squeeze %dma_wait3A_345 : memref<1x1x64xf32, #tpu.memory_space<hbm>> -> memref<1x64xf32, #tpu.memory_space<hbm>>
      tpu.wait_dma2 semaphore(%arg7 : memref<!tpu.dma_semaphore, #tpu.memory_space<semaphore_mem>>) src(%dma_wait3A_346 : memref<1x64xf32, #tpu.memory_space<hbm>>) dst(%dma_wait3A_343 : memref<1x64xf32, #tpu.memory_space<vmem>>)
      %dma_wait3A_347 = arith.constant 0 : i32
      %dma_wait3A_348 = arith.constant 8 : i32
      %dma_wait3A_349 = arith.constant 0 : i32
      %dma_wait3A_350 = tpu.memref_slice %arg6[%dma_wait3A_348, %dma_wait3A_349] : memref<16x64xf32, #tpu.memory_space<vmem>> -> memref<1x64xf32, #tpu.memory_space<vmem>>
      %dma_wait3A_351 = arith.constant 0 : i32
      %dma_wait3A_352 = tpu.memref_slice %arg2[%dma_wait3A_347, %squeeze3A_125, %dma_wait3A_351] : memref<1x16384x64xf32, #tpu.memory_space<hbm>> -> memref<1x1x64xf32, #tpu.memory_space<hbm>>
      %dma_wait3A_353 = tpu.memref_squeeze %dma_wait3A_352 : memref<1x1x64xf32, #tpu.memory_space<hbm>> -> memref<1x64xf32, #tpu.memory_space<hbm>>
      %dma_wait3A_354 = arith.constant 8 : i32
      %dma_wait3A_355 = arith.constant 0 : i32
      %dma_wait3A_356 = tpu.memref_slice %arg6[%dma_wait3A_354, %dma_wait3A_355] : memref<16x64xf32, #tpu.memory_space<vmem>> -> memref<1x64xf32, #tpu.memory_space<vmem>>
      %dma_wait3A_357 = arith.constant 0 : i32
      %dma_wait3A_358 = tpu.memref_slice %arg2[%dma_wait3A_347, %squeeze3A_125, %dma_wait3A_357] : memref<1x16384x64xf32, #tpu.memory_space<hbm>> -> memref<1x1x64xf32, #tpu.memory_space<hbm>>
      %dma_wait3A_359 = tpu.memref_squeeze %dma_wait3A_358 : memref<1x1x64xf32, #tpu.memory_space<hbm>> -> memref<1x64xf32, #tpu.memory_space<hbm>>
      tpu.wait_dma2 semaphore(%arg7 : memref<!tpu.dma_semaphore, #tpu.memory_space<semaphore_mem>>) src(%dma_wait3A_359 : memref<1x64xf32, #tpu.memory_space<hbm>>) dst(%dma_wait3A_356 : memref<1x64xf32, #tpu.memory_space<vmem>>)
      %dma_wait3A_360 = arith.constant 0 : i32
      %dma_wait3A_361 = arith.constant 9 : i32
      %dma_wait3A_362 = arith.constant 0 : i32
      %dma_wait3A_363 = tpu.memref_slice %arg6[%dma_wait3A_361, %dma_wait3A_362] : memref<16x64xf32, #tpu.memory_space<vmem>> -> memref<1x64xf32, #tpu.memory_space<vmem>>
      %dma_wait3A_364 = arith.constant 0 : i32
      %dma_wait3A_365 = tpu.memref_slice %arg2[%dma_wait3A_360, %squeeze3A_140, %dma_wait3A_364] : memref<1x16384x64xf32, #tpu.memory_space<hbm>> -> memref<1x1x64xf32, #tpu.memory_space<hbm>>
      %dma_wait3A_366 = tpu.memref_squeeze %dma_wait3A_365 : memref<1x1x64xf32, #tpu.memory_space<hbm>> -> memref<1x64xf32, #tpu.memory_space<hbm>>
      %dma_wait3A_367 = arith.constant 9 : i32
      %dma_wait3A_368 = arith.constant 0 : i32
      %dma_wait3A_369 = tpu.memref_slice %arg6[%dma_wait3A_367, %dma_wait3A_368] : memref<16x64xf32, #tpu.memory_space<vmem>> -> memref<1x64xf32, #tpu.memory_space<vmem>>
      %dma_wait3A_370 = arith.constant 0 : i32
      %dma_wait3A_371 = tpu.memref_slice %arg2[%dma_wait3A_360, %squeeze3A_140, %dma_wait3A_370] : memref<1x16384x64xf32, #tpu.memory_space<hbm>> -> memref<1x1x64xf32, #tpu.memory_space<hbm>>
      %dma_wait3A_372 = tpu.memref_squeeze %dma_wait3A_371 : memref<1x1x64xf32, #tpu.memory_space<hbm>> -> memref<1x64xf32, #tpu.memory_space<hbm>>
      tpu.wait_dma2 semaphore(%arg7 : memref<!tpu.dma_semaphore, #tpu.memory_space<semaphore_mem>>) src(%dma_wait3A_372 : memref<1x64xf32, #tpu.memory_space<hbm>>) dst(%dma_wait3A_369 : memref<1x64xf32, #tpu.memory_space<vmem>>)
      %dma_wait3A_373 = arith.constant 0 : i32
      %dma_wait3A_374 = arith.constant 10 : i32
      %dma_wait3A_375 = arith.constant 0 : i32
      %dma_wait3A_376 = tpu.memref_slice %arg6[%dma_wait3A_374, %dma_wait3A_375] : memref<16x64xf32, #tpu.memory_space<vmem>> -> memref<1x64xf32, #tpu.memory_space<vmem>>
      %dma_wait3A_377 = arith.constant 0 : i32
      %dma_wait3A_378 = tpu.memref_slice %arg2[%dma_wait3A_373, %squeeze3A_155, %dma_wait3A_377] : memref<1x16384x64xf32, #tpu.memory_space<hbm>> -> memref<1x1x64xf32, #tpu.memory_space<hbm>>
      %dma_wait3A_379 = tpu.memref_squeeze %dma_wait3A_378 : memref<1x1x64xf32, #tpu.memory_space<hbm>> -> memref<1x64xf32, #tpu.memory_space<hbm>>
      %dma_wait3A_380 = arith.constant 10 : i32
      %dma_wait3A_381 = arith.constant 0 : i32
      %dma_wait3A_382 = tpu.memref_slice %arg6[%dma_wait3A_380, %dma_wait3A_381] : memref<16x64xf32, #tpu.memory_space<vmem>> -> memref<1x64xf32, #tpu.memory_space<vmem>>
      %dma_wait3A_383 = arith.constant 0 : i32
      %dma_wait3A_384 = tpu.memref_slice %arg2[%dma_wait3A_373, %squeeze3A_155, %dma_wait3A_383] : memref<1x16384x64xf32, #tpu.memory_space<hbm>> -> memref<1x1x64xf32, #tpu.memory_space<hbm>>
      %dma_wait3A_385 = tpu.memref_squeeze %dma_wait3A_384 : memref<1x1x64xf32, #tpu.memory_space<hbm>> -> memref<1x64xf32, #tpu.memory_space<hbm>>
      tpu.wait_dma2 semaphore(%arg7 : memref<!tpu.dma_semaphore, #tpu.memory_space<semaphore_mem>>) src(%dma_wait3A_385 : memref<1x64xf32, #tpu.memory_space<hbm>>) dst(%dma_wait3A_382 : memref<1x64xf32, #tpu.memory_space<vmem>>)
      %dma_wait3A_386 = arith.constant 0 : i32
      %dma_wait3A_387 = arith.constant 11 : i32
      %dma_wait3A_388 = arith.constant 0 : i32
      %dma_wait3A_389 = tpu.memref_slice %arg6[%dma_wait3A_387, %dma_wait3A_388] : memref<16x64xf32, #tpu.memory_space<vmem>> -> memref<1x64xf32, #tpu.memory_space<vmem>>
      %dma_wait3A_390 = arith.constant 0 : i32
      %dma_wait3A_391 = tpu.memref_slice %arg2[%dma_wait3A_386, %squeeze3A_170, %dma_wait3A_390] : memref<1x16384x64xf32, #tpu.memory_space<hbm>> -> memref<1x1x64xf32, #tpu.memory_space<hbm>>
      %dma_wait3A_392 = tpu.memref_squeeze %dma_wait3A_391 : memref<1x1x64xf32, #tpu.memory_space<hbm>> -> memref<1x64xf32, #tpu.memory_space<hbm>>
      %dma_wait3A_393 = arith.constant 11 : i32
      %dma_wait3A_394 = arith.constant 0 : i32
      %dma_wait3A_395 = tpu.memref_slice %arg6[%dma_wait3A_393, %dma_wait3A_394] : memref<16x64xf32, #tpu.memory_space<vmem>> -> memref<1x64xf32, #tpu.memory_space<vmem>>
      %dma_wait3A_396 = arith.constant 0 : i32
      %dma_wait3A_397 = tpu.memref_slice %arg2[%dma_wait3A_386, %squeeze3A_170, %dma_wait3A_396] : memref<1x16384x64xf32, #tpu.memory_space<hbm>> -> memref<1x1x64xf32, #tpu.memory_space<hbm>>
      %dma_wait3A_398 = tpu.memref_squeeze %dma_wait3A_397 : memref<1x1x64xf32, #tpu.memory_space<hbm>> -> memref<1x64xf32, #tpu.memory_space<hbm>>
      tpu.wait_dma2 semaphore(%arg7 : memref<!tpu.dma_semaphore, #tpu.memory_space<semaphore_mem>>) src(%dma_wait3A_398 : memref<1x64xf32, #tpu.memory_space<hbm>>) dst(%dma_wait3A_395 : memref<1x64xf32, #tpu.memory_space<vmem>>)
      %dma_wait3A_399 = arith.constant 0 : i32
      %dma_wait3A_400 = arith.constant 12 : i32
      %dma_wait3A_401 = arith.constant 0 : i32
      %dma_wait3A_402 = tpu.memref_slice %arg6[%dma_wait3A_400, %dma_wait3A_401] : memref<16x64xf32, #tpu.memory_space<vmem>> -> memref<1x64xf32, #tpu.memory_space<vmem>>
      %dma_wait3A_403 = arith.constant 0 : i32
      %dma_wait3A_404 = tpu.memref_slice %arg2[%dma_wait3A_399, %squeeze3A_185, %dma_wait3A_403] : memref<1x16384x64xf32, #tpu.memory_space<hbm>> -> memref<1x1x64xf32, #tpu.memory_space<hbm>>
      %dma_wait3A_405 = tpu.memref_squeeze %dma_wait3A_404 : memref<1x1x64xf32, #tpu.memory_space<hbm>> -> memref<1x64xf32, #tpu.memory_space<hbm>>
      %dma_wait3A_406 = arith.constant 12 : i32
      %dma_wait3A_407 = arith.constant 0 : i32
      %dma_wait3A_408 = tpu.memref_slice %arg6[%dma_wait3A_406, %dma_wait3A_407] : memref<16x64xf32, #tpu.memory_space<vmem>> -> memref<1x64xf32, #tpu.memory_space<vmem>>
      %dma_wait3A_409 = arith.constant 0 : i32
      %dma_wait3A_410 = tpu.memref_slice %arg2[%dma_wait3A_399, %squeeze3A_185, %dma_wait3A_409] : memref<1x16384x64xf32, #tpu.memory_space<hbm>> -> memref<1x1x64xf32, #tpu.memory_space<hbm>>
      %dma_wait3A_411 = tpu.memref_squeeze %dma_wait3A_410 : memref<1x1x64xf32, #tpu.memory_space<hbm>> -> memref<1x64xf32, #tpu.memory_space<hbm>>
      tpu.wait_dma2 semaphore(%arg7 : memref<!tpu.dma_semaphore, #tpu.memory_space<semaphore_mem>>) src(%dma_wait3A_411 : memref<1x64xf32, #tpu.memory_space<hbm>>) dst(%dma_wait3A_408 : memref<1x64xf32, #tpu.memory_space<vmem>>)
      %dma_wait3A_412 = arith.constant 0 : i32
      %dma_wait3A_413 = arith.constant 13 : i32
      %dma_wait3A_414 = arith.constant 0 : i32
      %dma_wait3A_415 = tpu.memref_slice %arg6[%dma_wait3A_413, %dma_wait3A_414] : memref<16x64xf32, #tpu.memory_space<vmem>> -> memref<1x64xf32, #tpu.memory_space<vmem>>
      %dma_wait3A_416 = arith.constant 0 : i32
      %dma_wait3A_417 = tpu.memref_slice %arg2[%dma_wait3A_412, %squeeze3A_200, %dma_wait3A_416] : memref<1x16384x64xf32, #tpu.memory_space<hbm>> -> memref<1x1x64xf32, #tpu.memory_space<hbm>>
      %dma_wait3A_418 = tpu.memref_squeeze %dma_wait3A_417 : memref<1x1x64xf32, #tpu.memory_space<hbm>> -> memref<1x64xf32, #tpu.memory_space<hbm>>
      %dma_wait3A_419 = arith.constant 13 : i32
      %dma_wait3A_420 = arith.constant 0 : i32
      %dma_wait3A_421 = tpu.memref_slice %arg6[%dma_wait3A_419, %dma_wait3A_420] : memref<16x64xf32, #tpu.memory_space<vmem>> -> memref<1x64xf32, #tpu.memory_space<vmem>>
      %dma_wait3A_422 = arith.constant 0 : i32
      %dma_wait3A_423 = tpu.memref_slice %arg2[%dma_wait3A_412, %squeeze3A_200, %dma_wait3A_422] : memref<1x16384x64xf32, #tpu.memory_space<hbm>> -> memref<1x1x64xf32, #tpu.memory_space<hbm>>
      %dma_wait3A_424 = tpu.memref_squeeze %dma_wait3A_423 : memref<1x1x64xf32, #tpu.memory_space<hbm>> -> memref<1x64xf32, #tpu.memory_space<hbm>>
      tpu.wait_dma2 semaphore(%arg7 : memref<!tpu.dma_semaphore, #tpu.memory_space<semaphore_mem>>) src(%dma_wait3A_424 : memref<1x64xf32, #tpu.memory_space<hbm>>) dst(%dma_wait3A_421 : memref<1x64xf32, #tpu.memory_space<vmem>>)
      %dma_wait3A_425 = arith.constant 0 : i32
      %dma_wait3A_426 = arith.constant 14 : i32
      %dma_wait3A_427 = arith.constant 0 : i32
      %dma_wait3A_428 = tpu.memref_slice %arg6[%dma_wait3A_426, %dma_wait3A_427] : memref<16x64xf32, #tpu.memory_space<vmem>> -> memref<1x64xf32, #tpu.memory_space<vmem>>
      %dma_wait3A_429 = arith.constant 0 : i32
      %dma_wait3A_430 = tpu.memref_slice %arg2[%dma_wait3A_425, %squeeze3A_215, %dma_wait3A_429] : memref<1x16384x64xf32, #tpu.memory_space<hbm>> -> memref<1x1x64xf32, #tpu.memory_space<hbm>>
      %dma_wait3A_431 = tpu.memref_squeeze %dma_wait3A_430 : memref<1x1x64xf32, #tpu.memory_space<hbm>> -> memref<1x64xf32, #tpu.memory_space<hbm>>
      %dma_wait3A_432 = arith.constant 14 : i32
      %dma_wait3A_433 = arith.constant 0 : i32
      %dma_wait3A_434 = tpu.memref_slice %arg6[%dma_wait3A_432, %dma_wait3A_433] : memref<16x64xf32, #tpu.memory_space<vmem>> -> memref<1x64xf32, #tpu.memory_space<vmem>>
      %dma_wait3A_435 = arith.constant 0 : i32
      %dma_wait3A_436 = tpu.memref_slice %arg2[%dma_wait3A_425, %squeeze3A_215, %dma_wait3A_435] : memref<1x16384x64xf32, #tpu.memory_space<hbm>> -> memref<1x1x64xf32, #tpu.memory_space<hbm>>
      %dma_wait3A_437 = tpu.memref_squeeze %dma_wait3A_436 : memref<1x1x64xf32, #tpu.memory_space<hbm>> -> memref<1x64xf32, #tpu.memory_space<hbm>>
      tpu.wait_dma2 semaphore(%arg7 : memref<!tpu.dma_semaphore, #tpu.memory_space<semaphore_mem>>) src(%dma_wait3A_437 : memref<1x64xf32, #tpu.memory_space<hbm>>) dst(%dma_wait3A_434 : memref<1x64xf32, #tpu.memory_space<vmem>>)
      %dma_wait3A_438 = arith.constant 0 : i32
      %dma_wait3A_439 = arith.constant 15 : i32
      %dma_wait3A_440 = arith.constant 0 : i32
      %dma_wait3A_441 = tpu.memref_slice %arg6[%dma_wait3A_439, %dma_wait3A_440] : memref<16x64xf32, #tpu.memory_space<vmem>> -> memref<1x64xf32, #tpu.memory_space<vmem>>
      %dma_wait3A_442 = arith.constant 0 : i32
      %dma_wait3A_443 = tpu.memref_slice %arg2[%dma_wait3A_438, %squeeze3A_230, %dma_wait3A_442] : memref<1x16384x64xf32, #tpu.memory_space<hbm>> -> memref<1x1x64xf32, #tpu.memory_space<hbm>>
      %dma_wait3A_444 = tpu.memref_squeeze %dma_wait3A_443 : memref<1x1x64xf32, #tpu.memory_space<hbm>> -> memref<1x64xf32, #tpu.memory_space<hbm>>
      %dma_wait3A_445 = arith.constant 15 : i32
      %dma_wait3A_446 = arith.constant 0 : i32
      %dma_wait3A_447 = tpu.memref_slice %arg6[%dma_wait3A_445, %dma_wait3A_446] : memref<16x64xf32, #tpu.memory_space<vmem>> -> memref<1x64xf32, #tpu.memory_space<vmem>>
      %dma_wait3A_448 = arith.constant 0 : i32
      %dma_wait3A_449 = tpu.memref_slice %arg2[%dma_wait3A_438, %squeeze3A_230, %dma_wait3A_448] : memref<1x16384x64xf32, #tpu.memory_space<hbm>> -> memref<1x1x64xf32, #tpu.memory_space<hbm>>
      %dma_wait3A_450 = tpu.memref_squeeze %dma_wait3A_449 : memref<1x1x64xf32, #tpu.memory_space<hbm>> -> memref<1x64xf32, #tpu.memory_space<hbm>>
      tpu.wait_dma2 semaphore(%arg7 : memref<!tpu.dma_semaphore, #tpu.memory_space<semaphore_mem>>) src(%dma_wait3A_450 : memref<1x64xf32, #tpu.memory_space<hbm>>) dst(%dma_wait3A_447 : memref<1x64xf32, #tpu.memory_space<vmem>>)
      %run_scoped3A_451 = arith.constant 0 : i32
      "tpu.region"() ({
        %run_scoped3A_452 = tpu.sem_alloc : memref<!tpu.dma_semaphore, #tpu.memory_space<semaphore_mem>>
        %dma_start3A_453 = arith.constant 0 : i32
        %dma_start3A_454 = tpu.memref_slice %arg4[%run_scoped3A_451, %mul3A_4, %dma_start3A_453] : memref<1x128x64xf32, #tpu.memory_space<hbm>> -> memref<1x16x64xf32, #tpu.memory_space<hbm>>
        %dma_start3A_455 = tpu.memref_squeeze %dma_start3A_454 : memref<1x16x64xf32, #tpu.memory_space<hbm>> -> memref<16x64xf32, #tpu.memory_space<hbm>>
        %dma_start3A_456 = arith.constant 0 : i32
        %dma_start3A_457 = tpu.memref_slice %arg4[%run_scoped3A_451, %mul3A_4, %dma_start3A_456] : memref<1x128x64xf32, #tpu.memory_space<hbm>> -> memref<1x16x64xf32, #tpu.memory_space<hbm>>
        %dma_start3A_458 = tpu.memref_squeeze %dma_start3A_457 : memref<1x16x64xf32, #tpu.memory_space<hbm>> -> memref<16x64xf32, #tpu.memory_space<hbm>>
        tpu.enqueue_dma source(%arg6 : memref<16x64xf32, #tpu.memory_space<vmem>>) target(%dma_start3A_458 : memref<16x64xf32, #tpu.memory_space<hbm>>) target_semaphore(%run_scoped3A_452 : memref<!tpu.dma_semaphore, #tpu.memory_space<semaphore_mem>>)
        %dma_wait3A_459 = arith.constant 0 : i32
        %dma_wait3A_460 = tpu.memref_slice %arg4[%run_scoped3A_451, %mul3A_4, %dma_wait3A_459] : memref<1x128x64xf32, #tpu.memory_space<hbm>> -> memref<1x16x64xf32, #tpu.memory_space<hbm>>
        %dma_wait3A_461 = tpu.memref_squeeze %dma_wait3A_460 : memref<1x16x64xf32, #tpu.memory_space<hbm>> -> memref<16x64xf32, #tpu.memory_space<hbm>>
        %dma_wait3A_462 = arith.constant 0 : i32
        %dma_wait3A_463 = tpu.memref_slice %arg4[%run_scoped3A_451, %mul3A_4, %dma_wait3A_462] : memref<1x128x64xf32, #tpu.memory_space<hbm>> -> memref<1x16x64xf32, #tpu.memory_space<hbm>>
        %dma_wait3A_464 = tpu.memref_squeeze %dma_wait3A_463 : memref<1x16x64xf32, #tpu.memory_space<hbm>> -> memref<16x64xf32, #tpu.memory_space<hbm>>
        tpu.wait_dma2 semaphore(%run_scoped3A_452 : memref<!tpu.dma_semaphore, #tpu.memory_space<semaphore_mem>>) src(%arg6 : memref<16x64xf32, #tpu.memory_space<vmem>>) dst(%dma_wait3A_464 : memref<16x64xf32, #tpu.memory_space<hbm>>)
        tpu.yield
      }) : () -> ()
    } else {
    }
    return
  }
}

module attributes {stable_mosaic.version = 14 : i64} {
  func.func @_argmin_body(%arg0: i32, %arg1: memref<1x64x8192xf32, #tpu.memory_space<vmem>>, %arg2: memref<64x128xf32, #tpu.memory_space<vmem>>, %arg3: memref<1x128xi32, #tpu.memory_space<vmem>>, %arg4: memref<128x1xf32, #tpu.memory_space<vmem>>, %arg5: memref<128x1xi32, #tpu.memory_space<vmem>>) attributes {dimension_semantics = [#tpu.dimension_semantics<arbitrary>], iteration_bounds = array<i64: 2>, scalar_prefetch = 0 : i64, scratch_operands = 2 : i64, tpu.core_type = #tpu.core_type<tc>, window_params = [{transform_indices = @transform_0, window_bounds = array<i64: 1, 64, 8192>}, {pipeline_mode = #tpu.pipeline_mode<synchronous>, transform_indices = @transform_1, window_bounds = array<i64: 64, 128>}, {pipeline_mode = #tpu.pipeline_mode<synchronous>, transform_indices = @transform_2, window_bounds = array<i64: 1, 128>}]} {
    %get3A = arith.constant 0 : index
    %get3A_0 = arith.constant 0 : index
    %get3A_1 = arith.constant 0 : index
    %get3A_2 = vector.load %arg1[%get3A, %get3A_0, %get3A_1] : memref<1x64x8192xf32, #tpu.memory_space<vmem>>, vector<1x64x8192xf32>
    %get3A_3 = vector.shape_cast %get3A_2 : vector<1x64x8192xf32> to vector<64x8192xf32>
    %get3A_4 = arith.constant 0 : index
    %get3A_5 = arith.constant 0 : index
    %get3A_6 = vector.load %arg2[%get3A_4, %get3A_5] : memref<64x128xf32, #tpu.memory_space<vmem>>, vector<64x128xf32>
    %dot_general3A = arith.constant dense<0.000000e+00> : vector<128x8192xf32>
    %dot_general3A_7 = tpu.matmul %get3A_6, %get3A_3, %dot_general3A {dimension_numbers = #tpu.dot_dimension_numbers<[0], [0], [1], [1], [0, 1, 1, 1], [], []>, precision = #tpu.contract_precision<fp32>, transpose_lhs_hint = false} : vector<64x128xf32>, vector<64x8192xf32>, vector<128x8192xf32> -> vector<128x8192xf32>
    %mul3A = arith.mulf %get3A_3, %get3A_3 : vector<64x8192xf32>
    %reduce_sum3A = arith.constant dense<0.000000e+00> : vector<8192xf32>
    %reduce_sum3A_8 = vector.multi_reduction <add>, %mul3A, %reduce_sum3A [0] : vector<64x8192xf32> to vector<8192xf32>
    %broadcast_in_dim3A = vector.shape_cast %reduce_sum3A_8 : vector<8192xf32> to vector<1x8192xf32>
    %mul3A_9 = arith.constant 2.000000e+00 : f32
    %mul3A_10 = vector.broadcast %mul3A_9 : f32 to vector<128x8192xf32>
    %mul3A_11 = arith.mulf %mul3A_10, %dot_general3A_7 : vector<128x8192xf32>
    %sub3A = vector.broadcast %broadcast_in_dim3A : vector<1x8192xf32> to vector<128x8192xf32>
    %sub3A_12 = arith.subf %sub3A, %mul3A_11 : vector<128x8192xf32>
    %reduce_min3A = arith.constant dense<0x7F800000> : vector<128xf32>
    %reduce_min3A_13 = vector.multi_reduction <minimumf>, %sub3A_12, %reduce_min3A [1] : vector<128x8192xf32> to vector<128xf32>
    %broadcast_in_dim3A_14 = vector.shape_cast %reduce_min3A_13 : vector<128xf32> to vector<128x1xf32>
    %iota3A = tpu.iota {dimensions = array<i32: 1>} : vector<128x8192xi32>
    %mul3A_15 = arith.constant 8192 : i32
    %mul3A_16 = arith.muli %arg0, %mul3A_15 : i32
    %add3A = vector.broadcast %mul3A_16 : i32 to vector<128x8192xi32>
    %add3A_17 = arith.addi %iota3A, %add3A : vector<128x8192xi32>
    %eq3A = vector.broadcast %broadcast_in_dim3A_14 : vector<128x1xf32> to vector<128x8192xf32>
    %eq3A_18 = arith.cmpf oeq, %sub3A_12, %eq3A : vector<128x8192xf32>
    %jit3A = arith.constant 1073741824 : i32
    %broadcast_in_dim3A_19 = vector.broadcast %jit3A : i32 to vector<128x8192xi32>
    %select_n3A = arith.select %eq3A_18, %add3A_17, %broadcast_in_dim3A_19 : vector<128x8192xi1>, vector<128x8192xi32>
    %reduce_min3A_20 = arith.constant dense<2147483647> : vector<128xi32>
    %reduce_min3A_21 = vector.multi_reduction <minsi>, %select_n3A, %reduce_min3A_20 [1] : vector<128x8192xi32> to vector<128xi32>
    %broadcast_in_dim3A_22 = vector.shape_cast %reduce_min3A_21 : vector<128xi32> to vector<128x1xi32>
    %eq3A_23 = arith.constant 0 : i32
    %eq3A_24 = arith.cmpi eq, %arg0, %eq3A_23 : i32
    %convert_element_type3A = arith.extui %eq3A_24 : i1 to i32
    %cond3A = arith.constant 0 : i32
    %cond3A_25 = arith.cmpi ne, %convert_element_type3A, %cond3A : i32
    scf.if %cond3A_25 {
      %swap3A = arith.constant 0 : index
      %swap3A_35 = arith.constant 0 : index
      %swap3A_36 = vector.load %arg4[%swap3A, %swap3A_35] : memref<128x1xf32, #tpu.memory_space<vmem>>, vector<128x1xf32>
      tpu.vector_store %arg4[%swap3A, %swap3A_35], %broadcast_in_dim3A_14 {strides = array<i32>} : memref<128x1xf32, #tpu.memory_space<vmem>>, vector<128x1xf32>,
      %swap3A_37 = arith.constant 0 : index
      %swap3A_38 = arith.constant 0 : index
      %swap3A_39 = vector.load %arg5[%swap3A_37, %swap3A_38] : memref<128x1xi32, #tpu.memory_space<vmem>>, vector<128x1xi32>
      tpu.vector_store %arg5[%swap3A_37, %swap3A_38], %broadcast_in_dim3A_22 {strides = array<i32>} : memref<128x1xi32, #tpu.memory_space<vmem>>, vector<128x1xi32>,
    } else {
    }
    %gt3A = arith.constant 0 : i32
    %gt3A_26 = arith.cmpi sgt, %arg0, %gt3A : i32
    %convert_element_type3A_27 = arith.extui %gt3A_26 : i1 to i32
    %cond3A_28 = arith.constant 0 : i32
    %cond3A_29 = arith.cmpi ne, %convert_element_type3A_27, %cond3A_28 : i32
    scf.if %cond3A_29 {
      %get3A_35 = arith.constant 0 : index
      %get3A_36 = arith.constant 0 : index
      %get3A_37 = vector.load %arg4[%get3A_35, %get3A_36] : memref<128x1xf32, #tpu.memory_space<vmem>>, vector<128x1xf32>
      %lt3A = arith.cmpf olt, %broadcast_in_dim3A_14, %get3A_37 : vector<128x1xf32>
      %get3A_38 = arith.constant 0 : index
      %get3A_39 = arith.constant 0 : index
      %get3A_40 = vector.load %arg4[%get3A_38, %get3A_39] : memref<128x1xf32, #tpu.memory_space<vmem>>, vector<128x1xf32>
      %select_n3A_41 = arith.select %lt3A, %broadcast_in_dim3A_14, %get3A_40 : vector<128x1xi1>, vector<128x1xf32>
      %swap3A = arith.constant 0 : index
      %swap3A_42 = arith.constant 0 : index
      %swap3A_43 = vector.load %arg4[%swap3A, %swap3A_42] : memref<128x1xf32, #tpu.memory_space<vmem>>, vector<128x1xf32>
      tpu.vector_store %arg4[%swap3A, %swap3A_42], %select_n3A_41 {strides = array<i32>} : memref<128x1xf32, #tpu.memory_space<vmem>>, vector<128x1xf32>,
      %get3A_44 = arith.constant 0 : index
      %get3A_45 = arith.constant 0 : index
      %get3A_46 = vector.load %arg5[%get3A_44, %get3A_45] : memref<128x1xi32, #tpu.memory_space<vmem>>, vector<128x1xi32>
      %select_n3A_47 = arith.select %lt3A, %broadcast_in_dim3A_22, %get3A_46 : vector<128x1xi1>, vector<128x1xi32>
      %swap3A_48 = arith.constant 0 : index
      %swap3A_49 = arith.constant 0 : index
      %swap3A_50 = vector.load %arg5[%swap3A_48, %swap3A_49] : memref<128x1xi32, #tpu.memory_space<vmem>>, vector<128x1xi32>
      tpu.vector_store %arg5[%swap3A_48, %swap3A_49], %select_n3A_47 {strides = array<i32>} : memref<128x1xi32, #tpu.memory_space<vmem>>, vector<128x1xi32>,
    } else {
    }
    %eq3A_30 = arith.constant 1 : i32
    %eq3A_31 = arith.cmpi eq, %arg0, %eq3A_30 : i32
    %convert_element_type3A_32 = arith.extui %eq3A_31 : i1 to i32
    %cond3A_33 = arith.constant 0 : i32
    %cond3A_34 = arith.cmpi ne, %convert_element_type3A_32, %cond3A_33 : i32
    scf.if %cond3A_34 {
      %get3A_35 = arith.constant 0 : index
      %get3A_36 = arith.constant 0 : index
      %get3A_37 = vector.load %arg5[%get3A_35, %get3A_36] : memref<128x1xi32, #tpu.memory_space<vmem>>, vector<128x1xi32>
      %transpose3A = tpu.transpose %get3A_37, [1, 0] : vector<128x1xi32> -> vector<1x128xi32>
      %swap3A = arith.constant 0 : index
      %swap3A_38 = arith.constant 0 : index
      %swap3A_39 = vector.load %arg3[%swap3A, %swap3A_38] : memref<1x128xi32, #tpu.memory_space<vmem>>, vector<1x128xi32>
      tpu.vector_store %arg3[%swap3A, %swap3A_38], %transpose3A {strides = array<i32>} : memref<1x128xi32, #tpu.memory_space<vmem>>, vector<1x128xi32>,
    } else {
    }
    return
  }
  func.func @transform_0(%arg0: i32) -> (i32, i32, i32) {
    %c0_i32 = arith.constant 0 : i32
    %c0_i32_0 = arith.constant 0 : i32
    %c0_i32_1 = arith.constant 0 : i32
    return %c0_i32, %c0_i32_0, %arg0 : i32, i32, i32
  }
  func.func @transform_1(%arg0: i32) -> (i32, i32) {
    %c0_i32 = arith.constant 0 : i32
    %c0_i32_0 = arith.constant 0 : i32
    %c0_i32_1 = arith.constant 0 : i32
    return %c0_i32, %c0_i32_0 : i32, i32
  }
  func.func @transform_2(%arg0: i32) -> (i32, i32) {
    %c0_i32 = arith.constant 0 : i32
    %c0_i32_0 = arith.constant 0 : i32
    %c0_i32_1 = arith.constant 0 : i32
    return %c0_i32, %c0_i32_0 : i32, i32
  }
}

</mosaic_0001>

<sc_bundles>
// kernel: kernel.4.cloned.1.call-start
scs
__scs_entry_jumppad:
0x0: {  	(pc) =	sbr.rel $0x88, $3  }
0x1: {  	(tag) =	ssettag $0x0;
	lr =	simm.s32 $0x1  }
0x2: {  	[smem:$0x3F9F] =	sst lr;
	_ =	strace $0xD0000000  }
0x3: {  	_ = 	snop  }
0x4: {  	_ = 	snop  }
0x5: {  	_ = 	snop  }
0x6: {  	_ = 	snop  }
0x7: {  	_ = 	snop  }
__scs_overlays_trampoline_lowered:
0x8: {  	[smem:$0x3FAE] =	sst s0  }
0x9: {  	[smem:$0x3FAF] =	sst s1  }
0xa: {  	[smem:$0x3FB0] =	sst s2  }
0xb: {  	[smem:$0x3FB1] =	sst s3  }
0xc: {  	[smem:$0x3FB2] =	sst s4  }
0xd: {  	[smem:$0x3FB3] =	sst s5  }
0xe: {  	[smem:$0x3FB4] =	sst s6  }
0xf: {  	[smem:$0x3FB5] =	sst s7  }
0x10: {  	[smem:$0x3FB6] =	sst s8  }
0x11: {  	[smem:$0x3FB7] =	sst s9;
	s0 =	simm.s32 @!p0 $0x0  }
0x12: {  	s1 =	sld [smem:$0x3F9D];
	s0 =	simm.s32 @p0 $0x1  }
0x13: {  	[smem:$0x3FB8] =	sst s0;
	s0 =	simm.s32 @!p1 $0x0  }
0x14: {  	s2 =	sld [smem:$0x3F9C];
	s0 =	simm.s32 @p1 $0x1  }
0x15: {  	[smem:$0x3FB9] =	sst s0;
	s0 =	simm.s32 @!p2 $0x0  }
0x16: {  	s3 =	sld [smem:$0x3FDB];
	s0 =	simm.s32 @p2 $0x1  }
0x17: {  	s4 =	simm.s32 $0x1BF5;
	[smem:$0x3FBB] =	sst s0  }
0x18: {  	s0 =	sld [smem:$0x3F9E];
	_ =	swait.ge [sflag:s4], $0x0  }
0x19: {  	s7 =	sld [smem:$0x3F9F]  }
0x1a: {  	s8 =	sadd.s32 $0xFFFFE003, lr  }
0x1b: {  	s9 =	sadd.s32 $0xFFFFFEF7, lr;
	s5 =	simm.s32 $0xFFFFFFFF;
	p2 =	slt.u32 s8, $0xFFFFF086  }
0x1c: {  	p1 =	slt.u32 s9, $0xF7A;
	s5 =	simm.s32 @!p2 $0x0  }
0x1d: {  	s5 =	simm.s32 @p1 $0x1;
	p0 =	seq.s32 s7, s2  }
0x1e: {  	s7 =	smul.u32 @!p0 $0xF7A, s2;
	p2 =	seq.s32 @!p0 s5, $0x0  }
0x1f: {  	s9 =	smul.u32 $0xF7A, s1;
	s8 =	simm.s32 @!p0 $0x1BF5;
	p2 =	por !p2, p0  }
0x20: {  	[sflag:s8] =	ssyncset.s32 @!p0 $0xFFFFF086;
	s6 =	sadd.s32 @!p0 s3, s7;
	s7 =	simm.s32 @!p0 $0x108  }
0x21: {  	s3 =	sadd.s32 s3, s9;
	s6 =	sadd.s32 @!p0 $0x88, s6;
	s7 =	simm.s32 @p2 $0x1082  }
0x22: {  	[simem:s7], [sflag:s8] =	dma.local @!p0 [hbm:s6], $0xF7A  }
0x23: {  	s9 =	sor.u32 $0xD0000000, s2;
	s6 =	simm.s32 $0x108;
	_ =	swait.ge @!p0 [sflag:s8], $0x0  }
0x24: {  	s3 =	sadd.s32 $0x88, s3;
	s6 =	simm.s32 @!p1 $0x1082;
	[sflag:s4] =	ssyncset.s32 $0xFFFFF086  }
0x25: {  	[simem:s6], [sflag:s4] =	dma.local [hbm:s3], $0xF7A  }
0x26: {  	[smem:$0x3F9F] =	sst s1;
	(tag) =	ssettag s2;
	_ =	strace s9  }
0x27: {  	s1 =	sld [smem:$0x3FAF]  }
0x28: {  	s2 =	sld [smem:$0x3FB0]  }
0x29: {  	s4 =	sld [smem:$0x3FB2]  }
0x2a: {  	p0 =	seq.s32 s5, $0x0;
	s5 =	sld [smem:$0x3FB3]  }
0x2b: {  	s6 =	sld [smem:$0x3FB4]  }
0x2c: {  	s7 =	sld [smem:$0x3FB5]  }
0x2d: {  	s3 =	simm.s32 $0x108;
	s8 =	sld [smem:$0x3FB6]  }
0x2e: {  	s3 =	simm.s32 @!p0 $0x1082;
	s9 =	sld [smem:$0x3FB7]  }
0x2f: {  	lr =	sadd.s32 s0, s3;
	s0 =	sld [smem:$0x3FAE]  }
0x30: {  	s3 =	sld [smem:$0x3FB1]  }
0x31: {  	[smem:$0x3FBA] =	sst s10  }
0x32: {  	s10 =	sld [smem:$0x3FB8];
	_ =	sdelay $0x3  }
0x33: {  	p0 =	seq.s32 s10, $0x1;
	s10 =	sld [smem:$0x3FBA];
	_ =	sdelay $0x3  }
0x34: {  	[smem:$0x3FBA] =	sst s10  }
0x35: {  	s10 =	sld [smem:$0x3FB9];
	_ =	sdelay $0x3  }
0x36: {  	p1 =	seq.s32 s10, $0x1;
	s10 =	sld [smem:$0x3FBA];
	_ =	sdelay $0x3  }
0x37: {  	[smem:$0x3FBA] =	sst s10  }
0x38: {  	s10 =	sld [smem:$0x3FBB]  }
0x39: {  	_ = 	snop;
	(pc) =	sbr.ind lr, $3  }
0x3a: {  	_ = 	snop  }
0x3b: {  	_ = 	snop  }
0x3c: {  	p2 =	seq.s32 s10, $0x1;
	s10 =	sld [smem:$0x3FBA]  }
0x3d: {  	_ =	shalt  }
0x3e: {  	_ =	shalt  }
0x3f: {  	_ =	shalt  }
0x40: {  	_ =	shalt  }
0x41: {  	_ =	shalt  }
0x42: {  	_ =	shalt  }
0x43: {  	_ =	shalt  }
0x44: {  	_ =	shalt  }
0x45: {  	_ =	shalt  }
0x46: {  	_ =	shalt  }
0x47: {  	_ =	shalt  }
0x48: {  	_ =	shalt  }
0x49: {  	_ =	shalt  }
0x4a: {  	_ =	shalt  }
0x4b: {  	_ =	shalt  }
0x4c: {  	_ =	shalt  }
0x4d: {  	_ =	shalt  }
0x4e: {  	_ =	shalt  }
0x4f: {  	_ =	shalt  }
0x50: {  	_ =	shalt  }
0x51: {  	_ =	shalt  }
0x52: {  	_ =	shalt  }
0x53: {  	_ =	shalt  }
0x54: {  	_ =	shalt  }
0x55: {  	_ =	shalt  }
0x56: {  	_ =	shalt  }
0x57: {  	_ =	shalt  }
0x58: {  	_ =	shalt  }
0x59: {  	_ =	shalt  }
0x5a: {  	_ =	shalt  }
0x5b: {  	_ =	shalt  }
0x5c: {  	_ =	shalt  }
0x5d: {  	_ =	shalt  }
0x5e: {  	_ =	shalt  }
0x5f: {  	_ =	shalt  }
0x60: {  	_ =	shalt  }
0x61: {  	_ =	shalt  }
0x62: {  	_ =	shalt  }
0x63: {  	_ =	shalt  }
0x64: {  	_ =	shalt  }
0x65: {  	_ =	shalt  }
0x66: {  	_ =	shalt  }
0x67: {  	_ =	shalt  }
0x68: {  	_ =	shalt  }
0x69: {  	_ =	shalt  }
0x6a: {  	_ =	shalt  }
0x6b: {  	_ =	shalt  }
0x6c: {  	_ =	shalt  }
0x6d: {  	_ =	shalt  }
0x6e: {  	_ =	shalt  }
0x6f: {  	_ =	shalt  }
0x70: {  	_ =	shalt  }
0x71: {  	_ =	shalt  }
0x72: {  	_ =	shalt  }
0x73: {  	_ =	shalt  }
0x74: {  	_ =	shalt  }
0x75: {  	_ =	shalt  }
0x76: {  	_ =	shalt  }
0x77: {  	_ =	shalt  }
0x78: {  	_ =	shalt  }
0x79: {  	_ =	shalt  }
0x7a: {  	_ =	shalt  }
0x7b: {  	_ =	shalt  }
0x7c: {  	_ =	shalt  }
0x7d: {  	_ =	shalt  }
0x7e: {  	_ =	shalt  }
0x7f: {  	_ =	shalt  }
0x80: {  	_ =	shalt  }
0x81: {  	_ =	shalt  }
0x82: {  	_ =	shalt  }
0x83: {  	_ =	shalt  }
0x84: {  	_ =	shalt  }
0x85: {  	_ =	shalt  }
0x86: {  	_ =	shalt  }
0x87: {  	_ =	shalt  }
.Lfunc_end0:
.L_simem_size_0:
called_computation_lowered:
.L_overlay_start_0:
0x88: {  	s2 =	sld [smem:$0x3FD9]  }
0x89: {  	s3 =	sld [smem:$0x3FFE];
	_ =	sdelay $0x1  }
0x8a: {  	s1 =	srdreg.scid  }
0x8b: {  	s0 =	sand.u32 $0x1, s1  }
0x8c: {  	s17 =	sshll.u32 s0, $0xA;
	s2 =	sadd.s32 s3, s2  }
0x8d: {  	s2 =	sadd.s32 s2, s17  }
0x8e: {  	[smem:$0x3FC6] =	sst s2  }
0x8f: {  	_ = 	snop  }
0x90: {  	s2 =	sld [smem:$0x3FD0];
	(tm) =	ssettm $0x1  }
0x91: {  	s18 =	sld [smem:$0x3FFB];
	_ =	sdelay $0x3  }
0x92: {  	_ =	strace s18  }
0x93: {  	s3 =	sld [smem:$0x3FFC];
	_ =	sdelay $0x3  }
0x94: {  	_ =	strace s3  }
0x95: {  	s3 =	sld [smem:$0x3FFD];
	_ =	sdelay $0x3  }
0x96: {  	_ =	strace s3  }
0x97: {  	_ =	strace $0x8FFFFFFF  }
0x98: {  	s19 =	sld [smem:$0x3FDB];
	_ =	sdelay $0x1  }
0x99: {  	s4 =	simm.s32 $_scs_section_size  }
0x9a: {  	s5 =	simm.s32 $_size__tile_overlayer_lowered;
	s6 =	simm.s32 $_tile_overlayer_lowered  }
0x9b: {  	s22 =	simm.s32 $0x1BFF;
	s21 =	sshll.u32 s6, $0x1;
	s3 =	sadd.s32 s4, s19  }
0x9c: {  	s7 =	simm.s32 $0x0;
	s20 =	sshll.u32 s5, $0x1;
	s5 =	sadd.s32 s21, s3  }
0x9d: {  	[timem:s7], [sflag:s22] =	dma.local [hbm:s5], s20  }
0x9e: {  	_ =	swait.ge [sflag:s22], s20  }
0x9f: {  	s4 =	ssub.s32 $0x0, s20;
	[sflag:s22] =	ssyncset.done $0x0  }
0xa0: {  	[sflag:s22] =	ssyncadd.s32 s4;
	_ =	sdelay $0x1  }
0xa1: {  	s23 =	simm.s32 $0x1B8B  }
0xa2: {  	_ =	swait.ge [sflag:s23], $0x1  }
0xa3: {  	[sflag:s23] =	ssyncset.done $0x0  }
0xa4: {  	s25 =	simm.s32 $0x1B8E;
	s24 =	sld [smem:$0x3FFE];
	[sflag:s23] =	ssyncadd.s32 $0xFFFFFFFF  }
0xa5: {  	s26 =	simm.s32 $execute0_lowered;
	[smem:$0x3FD2] =	sst s25  }
0xa6: {  	s5 =	sshll.u32 s26, $0x1;
	_ =	strace $0x80000046;
	[dreg:$0x1] =	wrdreg $0xFFFFFFFF  }
0xa7: {  	s28 =	simm.s32 $_size_execute0_lowered;
	s3 =	sadd.s32 s3, s5;
	[dreg:$0x0] =	wrdreg $0x0  }
0xa8: {  	s5 =	sshll.u32 s28, $0x1;
	[dreg:$0x2] =	wrdreg s3  }
0xa9: {  	[dreg:$0x3] =	wrdreg s5  }
0xaa: {  	[dreg:$0x4] =	wrdreg $0xC0  }
0xab: {  	_ =	task [dreg:s7], $0x5FFFF  }
0xac: {  	[dreg:$0x1] =	wrdreg $0xFFFFFFFF  }
0xad: {  	[dreg:$0x0] =	wrdreg $0x60  }
0xae: {  	[dreg:$0x2] =	wrdreg s24  }
0xaf: {  	[dreg:$0x3] =	wrdreg s2  }
0xb0: {  	[dreg:$0x4] =	wrdreg $0x9  }
0xb1: {  	_ =	task.clear_ibuf [dreg:s7], $0x5FFFF;
	_ =	strace $0x90000046  }
0xb2: {  	s29 =	simm.s32 $0x9;
	_ =	strace $0x80000048  }
0xb3: {  	_ =	swait.ge [sflag:s29], $0x1  }
0xb4: {  	[sflag:s29] =	ssyncadd.s32 $0xFFFFFFFF  }
0xb5: {  	_ =	strace $0x90000048  }
0xb6: {  	_ =	sfence  }
0xb7: {  	s30 =	sld [smem:$0x0];
	_ =	sdelay $0x2  }
0xb8: {  	s31 =	sshll.u32 s1, $0xD;
	s1 =	sshrl.u32 s1, $0x2  }
0xb9: {  	s3 =	sand.u32 $0x4000, s31;
	s1 =	sadd.s32 s1, s30  }
0xba: {  	s0 =	sor.u32 s3, s0;
	s1 =	sshll.u32 s1, $0x11  }
0xbb: {  	s0 =	sor.u32 s1, s0  }
0xbc: {  	s0 =	sadd.s32 $0x8F2B, s0  }
0xbd: {  	[sflag:s0] =	ssyncadd.remote.s32 $0x1  }
0xbe: {  	_ =	sfence.sel $0xFFFF  }
0xbf: {  	[dreg:$0x0] =	wrdreg $0xFFFFFFFF;
	(pc) =	sbr.abs _section_cstart, $3  }
0xc0: {  	[dreg:$0x1] =	wrdreg $0xFFFFFFFF  }
0xc1: {  	_ =	task.clear_ibuf [dreg:s7], $0x2FFFF;
	_ =	strace $0x9FFFFFFF  }
0xc2: {  	(tm) =	ssettm $0x7FFFFFFF  }
0xc3: {  	_ =	shalt  }
tec
execute0_lowered:
.L_overlay_start_1:
0x0: {  	(tag) =	ssettag $0x1  }
0x1: {  	s1 =	stileid.u32  }
0x2: {  	p0 =	sgt.u32 s1, $0x3  }
.Ltmp0:
0x3: {  	_ = 	snop;
	(pc) =	sbr.rel @p0 .LBB2_5-.Ltmp0, $4  }
0x4: {  	s3 =	rddreg [dreg:$0x0]  }
0x5: {  	s4 =	rddreg [dreg:$0x1];
	s2 =	simm.s32 $0x0  }
0x6: {  	[smem:$0x7FF] =	sst s2  }
0x7: {  	s0 =	rddreg [dreg:$0x2];
	_ =	strace $0x80000047  }
0x8: {  	s14 =	simm.s32 $0x100  }
0x9: {  	s15 =	simm.s32 $0x180;
	[dreg:$0x5] =	wrdreg s14  }
0xa: {  	s16 =	simm.s32 $0x200;
	[dreg:$0x6] =	wrdreg s15  }
0xb: {  	s17 =	simm.s32 $0x280;
	[dreg:$0x7] =	wrdreg s16  }
0xc: {  	s18 =	simm.s32 $0x300;
	[dreg:$0x8] =	wrdreg s17  }
0xd: {  	s5 =	srdreg.scid;
	s19 =	simm.s32 $0x380;
	[dreg:$0x9] =	wrdreg s18  }
0xe: {  	s6 =	sshll.u32 s1, $0x1;
	s20 =	simm.s32 $0x400;
	[dreg:$0xa] =	wrdreg s19  }
0xf: {  	s21 =	simm.s32 $0x480;
	s22 =	simm.s32 $0x500;
	[dreg:$0xb] =	wrdreg s20  }
0x10: {  	s24 =	simm.s32 $0x580;
	s5 =	sand.u32 $0x1, s5;
	[dreg:$0xc] =	wrdreg s21  }
0x11: {  	s25 =	simm.s32 $0x600;
	[dreg:$0xd] =	wrdreg s22;
	s6 =	sor.u32 s5, s6  }
0x12: {  	s23 =	ssub.s32 $0x2, s5;
	s7 =	sshll.u32 s6, $0x8;
	s6 =	sshll.u32 s6, $0x1  }
0x13: {  	[dreg:$0xe] =	wrdreg s24;
	s5 =	sshrl.u32 s23, $0x1;
	s4 =	sadd.s32 s4, s6  }
0x14: {  	s26 =	simm.s32 $0x680;
	[dreg:$0x4] =	wrdreg s4;
	s4 =	ssub.s32 s23, s5  }
0x15: {  	s29 =	simm.s32 $0x700;
	[dreg:$0xf] =	wrdreg s25;
	s28 =	smax.u32 s4, $0x1  }
0x16: {  	s30 =	simm.s32 $0x780;
	[dreg:$0x10] =	wrdreg s26;
	p1 =	sne.s32 s28, $0x1  }
.Ltmp1:
0x17: {  	s31 =	simm.s32 $0x800;
	[dreg:$0x11] =	wrdreg s29;
	(pc) =	sbr.rel @!p1 .LBB2_4-.Ltmp1, $4  }
0x18: {  	p0 =	por $0x0, $0x0;
	[dreg:$0x12] =	wrdreg s30;
	s7 =	sadd.s32 s7, s3  }
0x19: {  	[dreg:$0x13] =	wrdreg s31;
	s6 =	sadd.s32 $0xA00, s3;
	s7 =	sadd.s32 $0x40A00, s7  }
0x1a: {  	s3 =	simm.s32 $0x2;
	s5 =	simm.s32 $0x1;
	[dreg:$0x3] =	wrdreg s7  }
0x1b: {  	s4 =	simm.s32 $0x80;
	s8 =	rddreg [dreg:$0x4];
	s7 =	sadd.s32 $0xFFFFFFFF, s28  }
0x1c: {  	[tilespmem:s2], [sflag:$0x2] =	stream.linear.gather [hbm4b:s8+s2], $0x10, $0x38;
	[tilespmem:$0x880] =	vst v63  }
0x1d: {  	_ =	swait.ge [sflag:s3], $0x10  }
0x1e: {  	[sflag:s3] =	ssyncset.done $0x0  }
0x1f: {  	[sflag:s3] =	ssyncadd.s32 $0xFFFFFFF0  }
0x20: {  	v0 =	vld [tilespmem:$0x0];
	_ =	sdelay $0x4  }
0x21: {  	v0 =	vshll.u32 v0, $0x4  }
0x22: {  	(v2sf) =	vpush v0, $0x0  }
0x23: {  	(v2sf) =	vpush v0, $0x1  }
0x24: {  	(v2sf) =	vpush v0, $0x2;
	_ =	sdelay $0x1  }
0x25: {  	s9 =	rddreg [dreg:$0x11];
	(v2sf) =	vpush v0, $0x3  }
0x26: {  	s10 =	rddreg [dreg:$0x10]  }
0x27: {  	s11 =	rddreg [dreg:$0xf];
	(v2sf) =	vpush v0, $0x4  }
0x28: {  	s12 =	rddreg [dreg:$0xe]  }
0x29: {  	s13 =	rddreg [dreg:$0xd];
	(v2sf) =	vpush v0, $0x5  }
0x2a: {  	s14 =	rddreg [dreg:$0xc]  }
0x2b: {  	s15 =	rddreg [dreg:$0xb];
	(v2sf) =	vpush v0, $0x6  }
0x2c: {  	s16 =	rddreg [dreg:$0xa]  }
0x2d: {  	s17 =	rddreg [dreg:$0x9];
	(v2sf) =	vpush v0, $0x7  }
0x2e: {  	s18 =	rddreg [dreg:$0x8]  }
0x2f: {  	s19 =	rddreg [dreg:$0x7];
	(v2sf) =	vpush v0, $0x8  }
0x30: {  	s20 =	rddreg [dreg:$0x6];
	s21 =	spop (v2sf)  }
0x31: {  	s22 =	rddreg [dreg:$0x5];
	(v2sf) =	vpush v0, $0x9;
	s21 =	sand.u32 $0x1FFFFFF0, s21;
	s23 =	spop (v2sf)  }
0x32: {  	s21 =	sadd.s32 s6, s21;
	s23 =	sand.u32 $0x1FFFFFF0, s23;
	s24 =	spop (v2sf)  }
0x33: {  	(v2sf) =	vpush v0, $0xA;
	[tilespmem:s4], [sflag:$0x1] =	stream.linear.gather [hbm4b:s21+s2], $0x80, $0x38;
	[tilespmem:$0x880] =	vst v63  }
0x34: {  	s25 =	sadd.s32 s6, s23;
	s26 =	sand.u32 $0x1FFFFFF0, s24;
	s28 =	spop (v2sf)  }
0x35: {  	(v2sf) =	vpush v0, $0xB;
	[tilespmem:s22], [sflag:$0x1] =	stream.linear.gather [hbm4b:s25+s2], $0x80, $0x38;
	[tilespmem:$0x880] =	vst v63  }
0x36: {  	s29 =	sadd.s32 s6, s26;
	s30 =	sand.u32 $0x1FFFFFF0, s28;
	s31 =	spop (v2sf)  }
0x37: {  	(v2sf) =	vpush v0, $0xC;
	[tilespmem:s20], [sflag:$0x1] =	stream.linear.gather [hbm4b:s29+s2], $0x80, $0x38;
	[tilespmem:$0x880] =	vst v63  }
0x38: {  	s22 =	sadd.s32 s6, s30;
	s23 =	sand.u32 $0x1FFFFFF0, s31;
	s24 =	spop (v2sf)  }
0x39: {  	(v2sf) =	vpush v0, $0xD;
	[tilespmem:s19], [sflag:$0x1] =	stream.linear.gather [hbm4b:s22+s2], $0x80, $0x38;
	[tilespmem:$0x880] =	vst v63  }
0x3a: {  	s25 =	sadd.s32 s6, s23;
	s26 =	sand.u32 $0x1FFFFFF0, s24;
	s28 =	spop (v2sf)  }
0x3b: {  	(v2sf) =	vpush v0, $0xE;
	[tilespmem:s18], [sflag:$0x1] =	stream.linear.gather [hbm4b:s25+s2], $0x80, $0x38;
	[tilespmem:$0x880] =	vst v63  }
0x3c: {  	s29 =	sadd.s32 s6, s26;
	s30 =	sand.u32 $0x1FFFFFF0, s28;
	s31 =	spop (v2sf)  }
0x3d: {  	(v2sf) =	vpush v0, $0xF;
	[tilespmem:s17], [sflag:$0x1] =	stream.linear.gather [hbm4b:s29+s2], $0x80, $0x38;
	[tilespmem:$0x880] =	vst v63  }
0x3e: {  	s20 =	sand.u32 $0x1FFFFFF0, s31;
	s21 =	spop (v2sf);
	s19 =	sadd.s32 s6, s30  }
0x3f: {  	[tilespmem:s16], [sflag:$0x1] =	stream.linear.gather [hbm4b:s19+s2], $0x80, $0x38;
	[tilespmem:$0x880] =	vst v63  }
0x40: {  	s22 =	sadd.s32 s6, s20;
	s23 =	sand.u32 $0x1FFFFFF0, s21;
	s24 =	spop (v2sf)  }
0x41: {  	[tilespmem:s15], [sflag:$0x1] =	stream.linear.gather [hbm4b:s22+s2], $0x80, $0x38;
	[tilespmem:$0x880] =	vst v63  }
0x42: {  	s25 =	sadd.s32 s6, s23;
	s26 =	sand.u32 $0x1FFFFFF0, s24;
	s28 =	spop (v2sf)  }
0x43: {  	[tilespmem:s14], [sflag:$0x1] =	stream.linear.gather [hbm4b:s25+s2], $0x80, $0x38;
	[tilespmem:$0x880] =	vst v63  }
0x44: {  	s29 =	sadd.s32 s6, s26;
	s30 =	sand.u32 $0x1FFFFFF0, s28;
	s31 =	spop (v2sf)  }
0x45: {  	[tilespmem:s13], [sflag:$0x1] =	stream.linear.gather [hbm4b:s29+s2], $0x80, $0x38;
	[tilespmem:$0x880] =	vst v63  }
0x46: {  	s15 =	sand.u32 $0x1FFFFFF0, s31;
	s16 =	spop (v2sf);
	s14 =	sadd.s32 s6, s30  }
0x47: {  	[tilespmem:s12], [sflag:$0x1] =	stream.linear.gather [hbm4b:s14+s2], $0x80, $0x38;
	[tilespmem:$0x880] =	vst v63  }
0x48: {  	s17 =	sadd.s32 s6, s15;
	s18 =	sand.u32 $0x1FFFFFF0, s16;
	s19 =	spop (v2sf)  }
0x49: {  	[tilespmem:s11], [sflag:$0x1] =	stream.linear.gather [hbm4b:s17+s2], $0x80, $0x38;
	[tilespmem:$0x880] =	vst v63  }
0x4a: {  	s20 =	sadd.s32 s6, s18;
	s21 =	sand.u32 $0x1FFFFFF0, s19;
	s22 =	spop (v2sf)  }
0x4b: {  	[tilespmem:s10], [sflag:$0x1] =	stream.linear.gather [hbm4b:s20+s2], $0x80, $0x38;
	[tilespmem:$0x880] =	vst v63  }
0x4c: {  	s23 =	sadd.s32 s6, s21;
	s24 =	sand.u32 $0x1FFFFFF0, s22;
	s25 =	spop (v2sf)  }
0x4d: {  	[tilespmem:s9], [sflag:$0x1] =	stream.linear.gather [hbm4b:s23+s2], $0x80, $0x38;
	[tilespmem:$0x880] =	vst v63  }
0x4e: {  	s8 =	rddreg [dreg:$0x12];
	s26 =	sadd.s32 s6, s24;
	s28 =	sand.u32 $0x1FFFFFF0, s25  }
0x4f: {  	[tilespmem:s8], [sflag:$0x1] =	stream.linear.gather [hbm4b:s26+s2], $0x80, $0x38;
	[tilespmem:$0x880] =	vst v63  }
0x50: {  	s29 =	rddreg [dreg:$0x13];
	s30 =	sadd.s32 s6, s28  }
0x51: {  	[tilespmem:s29], [sflag:$0x1] =	stream.linear.gather [hbm4b:s30+s2], $0x80, $0x38;
	[tilespmem:$0x880] =	vst v63  }
0x52: {  	_ =	swait.ge [sflag:s5], $0x80  }
0x53: {  	[sflag:s5] =	ssyncset.done $0x0  }
0x54: {  	[sflag:s5] =	ssyncadd.s32 $0xFFFFFF80  }
0x55: {  	_ =	swait.ge [sflag:s5], $0x80  }
0x56: {  	[sflag:s5] =	ssyncset.done $0x0  }
0x57: {  	[sflag:s5] =	ssyncadd.s32 $0xFFFFFF80  }
0x58: {  	_ =	swait.ge [sflag:s5], $0x80  }
0x59: {  	[sflag:s5] =	ssyncset.done $0x0  }
0x5a: {  	[sflag:s5] =	ssyncadd.s32 $0xFFFFFF80  }
0x5b: {  	_ =	swait.ge [sflag:s5], $0x80  }
0x5c: {  	[sflag:s5] =	ssyncset.done $0x0  }
0x5d: {  	[sflag:s5] =	ssyncadd.s32 $0xFFFFFF80  }
0x5e: {  	_ =	swait.ge [sflag:s5], $0x80  }
0x5f: {  	[sflag:s5] =	ssyncset.done $0x0  }
0x60: {  	[sflag:s5] =	ssyncadd.s32 $0xFFFFFF80  }
0x61: {  	_ =	swait.ge [sflag:s5], $0x80  }
0x62: {  	[sflag:s5] =	ssyncset.done $0x0  }
0x63: {  	[sflag:s5] =	ssyncadd.s32 $0xFFFFFF80  }
0x64: {  	_ =	swait.ge [sflag:s5], $0x80  }
0x65: {  	[sflag:s5] =	ssyncset.done $0x0  }
0x66: {  	[sflag:s5] =	ssyncadd.s32 $0xFFFFFF80  }
0x67: {  	_ =	swait.ge [sflag:s5], $0x80  }
0x68: {  	[sflag:s5] =	ssyncset.done $0x0  }
0x69: {  	[sflag:s5] =	ssyncadd.s32 $0xFFFFFF80  }
0x6a: {  	_ =	swait.ge [sflag:s5], $0x80  }
0x6b: {  	[sflag:s5] =	ssyncset.done $0x0  }
0x6c: {  	[sflag:s5] =	ssyncadd.s32 $0xFFFFFF80  }
0x6d: {  	_ =	swait.ge [sflag:s5], $0x80  }
0x6e: {  	[sflag:s5] =	ssyncset.done $0x0  }
0x6f: {  	[sflag:s5] =	ssyncadd.s32 $0xFFFFFF80  }
0x70: {  	_ =	swait.ge [sflag:s5], $0x80  }
0x71: {  	[sflag:s5] =	ssyncset.done $0x0  }
0x72: {  	[sflag:s5] =	ssyncadd.s32 $0xFFFFFF80  }
0x73: {  	_ =	swait.ge [sflag:s5], $0x80  }
0x74: {  	[sflag:s5] =	ssyncset.done $0x0  }
0x75: {  	[sflag:s5] =	ssyncadd.s32 $0xFFFFFF80  }
0x76: {  	_ =	swait.ge [sflag:s5], $0x80  }
0x77: {  	[sflag:s5] =	ssyncset.done $0x0  }
0x78: {  	[sflag:s5] =	ssyncadd.s32 $0xFFFFFF80  }
0x79: {  	_ =	swait.ge [sflag:s5], $0x80  }
0x7a: {  	[sflag:s5] =	ssyncset.done $0x0  }
0x7b: {  	[sflag:s5] =	ssyncadd.s32 $0xFFFFFF80  }
0x7c: {  	_ =	swait.ge [sflag:s5], $0x80  }
0x7d: {  	[sflag:s5] =	ssyncset.done $0x0  }
0x7e: {  	[sflag:s5] =	ssyncadd.s32 $0xFFFFFF80  }
0x7f: {  	p1 =	sne.s32 s7, $0x1;
	_ =	swait.ge [sflag:s5], $0x80  }
.Ltmp2:
0x80: {  	[sflag:s5] =	ssyncset.done $0x0;
	(pc) =	sbr.rel @!p1 .LBB2_4-.Ltmp2, $4  }
0x81: {  	s31 =	rddreg [dreg:$0x3];
	[sflag:s5] =	ssyncadd.s32 $0xFFFFFF80  }
0x82: {  	[hbm4b:s31+s2] =	stream.linear.scatter [tilespmem:s4], [sflag:$0x2], $0x800, $0x38;
	[tilespmem:$0x880] =	vst v63  }
0x83: {  	s7 =	sadd.s32 $0xFFFFFFFF, s7;
	_ =	swait.ge [sflag:s3], $0x800  }
0x84: {  	p0 =	por $0x1, $0x1;
	s8 =	rddreg [dreg:$0x4];
	[sflag:s3] =	ssyncset.done $0x0  }
.LBB2_3:
0x85: {  	[sflag:s3] =	ssyncadd.s32 $0xFFFFF800  }
0x86: {  	[tilespmem:s2], [sflag:$0x2] =	stream.linear.gather [hbm4b:s8+s2], $0x10, $0x38;
	[tilespmem:$0x880] =	vst v63  }
0x87: {  	_ =	swait.ge [sflag:s3], $0x10  }
0x88: {  	[sflag:s3] =	ssyncset.done $0x0  }
0x89: {  	[sflag:s3] =	ssyncadd.s32 $0xFFFFFFF0  }
0x8a: {  	v0 =	vld [tilespmem:$0x0];
	_ =	sdelay $0x4  }
0x8b: {  	v0 =	vshll.u32 v0, $0x4  }
0x8c: {  	(v2sf) =	vpush v0, $0x0  }
0x8d: {  	(v2sf) =	vpush v0, $0x1  }
0x8e: {  	(v2sf) =	vpush v0, $0x2;
	_ =	sdelay $0x1  }
0x8f: {  	s9 =	rddreg [dreg:$0x11];
	(v2sf) =	vpush v0, $0x3  }
0x90: {  	s10 =	rddreg [dreg:$0x10]  }
0x91: {  	s11 =	rddreg [dreg:$0xf];
	(v2sf) =	vpush v0, $0x4  }
0x92: {  	s12 =	rddreg [dreg:$0xe]  }
0x93: {  	s13 =	rddreg [dreg:$0xd];
	(v2sf) =	vpush v0, $0x5  }
0x94: {  	s14 =	rddreg [dreg:$0xc]  }
0x95: {  	s15 =	rddreg [dreg:$0xb];
	(v2sf) =	vpush v0, $0x6  }
0x96: {  	s16 =	rddreg [dreg:$0xa]  }
0x97: {  	s17 =	rddreg [dreg:$0x9];
	(v2sf) =	vpush v0, $0x7  }
0x98: {  	s18 =	rddreg [dreg:$0x8]  }
0x99: {  	s19 =	rddreg [dreg:$0x7];
	(v2sf) =	vpush v0, $0x8  }
0x9a: {  	s20 =	rddreg [dreg:$0x6];
	s21 =	spop (v2sf)  }
0x9b: {  	s22 =	rddreg [dreg:$0x5];
	s21 =	sand.u32 $0x1FFFFFF0, s21;
	s23 =	spop (v2sf);
	(v2sf) =	vpush v0, $0x9  }
0x9c: {  	s21 =	sadd.s32 s6, s21;
	s23 =	sand.u32 $0x1FFFFFF0, s23;
	s24 =	spop (v2sf)  }
0x9d: {  	(v2sf) =	vpush v0, $0xA;
	[tilespmem:s4], [sflag:$0x1] =	stream.linear.gather [hbm4b:s21+s2], $0x80, $0x38;
	[tilespmem:$0x880] =	vst v63  }
0x9e: {  	s25 =	sadd.s32 s6, s23;
	s26 =	sand.u32 $0x1FFFFFF0, s24;
	s28 =	spop (v2sf)  }
0x9f: {  	(v2sf) =	vpush v0, $0xB;
	[tilespmem:s22], [sflag:$0x1] =	stream.linear.gather [hbm4b:s25+s2], $0x80, $0x38;
	[tilespmem:$0x880] =	vst v63  }
0xa0: {  	s29 =	sadd.s32 s6, s26;
	s30 =	sand.u32 $0x1FFFFFF0, s28;
	s31 =	spop (v2sf)  }
0xa1: {  	(v2sf) =	vpush v0, $0xC;
	[tilespmem:s20], [sflag:$0x1] =	stream.linear.gather [hbm4b:s29+s2], $0x80, $0x38;
	[tilespmem:$0x880] =	vst v63  }
0xa2: {  	s22 =	sadd.s32 s6, s30;
	s23 =	sand.u32 $0x1FFFFFF0, s31;
	s24 =	spop (v2sf)  }
0xa3: {  	(v2sf) =	vpush v0, $0xD;
	[tilespmem:s19], [sflag:$0x1] =	stream.linear.gather [hbm4b:s22+s2], $0x80, $0x38;
	[tilespmem:$0x880] =	vst v63  }
0xa4: {  	s25 =	sadd.s32 s6, s23;
	s26 =	sand.u32 $0x1FFFFFF0, s24;
	s28 =	spop (v2sf)  }
0xa5: {  	(v2sf) =	vpush v0, $0xE;
	[tilespmem:s18], [sflag:$0x1] =	stream.linear.gather [hbm4b:s25+s2], $0x80, $0x38;
	[tilespmem:$0x880] =	vst v63  }
0xa6: {  	s29 =	sadd.s32 s6, s26;
	s30 =	sand.u32 $0x1FFFFFF0, s28;
	s31 =	spop (v2sf)  }
0xa7: {  	(v2sf) =	vpush v0, $0xF;
	[tilespmem:s17], [sflag:$0x1] =	stream.linear.gather [hbm4b:s29+s2], $0x80, $0x38;
	[tilespmem:$0x880] =	vst v63  }
0xa8: {  	s20 =	sand.u32 $0x1FFFFFF0, s31;
	s21 =	spop (v2sf);
	s19 =	sadd.s32 s6, s30  }
0xa9: {  	[tilespmem:s16], [sflag:$0x1] =	stream.linear.gather [hbm4b:s19+s2], $0x80, $0x38;
	[tilespmem:$0x880] =	vst v63  }
0xaa: {  	s22 =	sadd.s32 s6, s20;
	s23 =	sand.u32 $0x1FFFFFF0, s21;
	s24 =	spop (v2sf)  }
0xab: {  	[tilespmem:s15], [sflag:$0x1] =	stream.linear.gather [hbm4b:s22+s2], $0x80, $0x38;
	[tilespmem:$0x880] =	vst v63  }
0xac: {  	s25 =	sadd.s32 s6, s23;
	s26 =	sand.u32 $0x1FFFFFF0, s24;
	s28 =	spop (v2sf)  }
0xad: {  	[tilespmem:s14], [sflag:$0x1] =	stream.linear.gather [hbm4b:s25+s2], $0x80, $0x38;
	[tilespmem:$0x880] =	vst v63  }
0xae: {  	s29 =	sadd.s32 s6, s26;
	s30 =	sand.u32 $0x1FFFFFF0, s28;
	s31 =	spop (v2sf)  }
0xaf: {  	[tilespmem:s13], [sflag:$0x1] =	stream.linear.gather [hbm4b:s29+s2], $0x80, $0x38;
	[tilespmem:$0x880] =	vst v63  }
0xb0: {  	s14 =	sadd.s32 s6, s30;
	s15 =	sand.u32 $0x1FFFFFF0, s31;
	s16 =	spop (v2sf)  }
0xb1: {  	[tilespmem:s12], [sflag:$0x1] =	stream.linear.gather [hbm4b:s14+s2], $0x80, $0x38;
	[tilespmem:$0x880] =	vst v63  }
0xb2: {  	s17 =	sadd.s32 s6, s15;
	s18 =	sand.u32 $0x1FFFFFF0, s16;
	s19 =	spop (v2sf)  }
0xb3: {  	[tilespmem:s11], [sflag:$0x1] =	stream.linear.gather [hbm4b:s17+s2], $0x80, $0x38;
	[tilespmem:$0x880] =	vst v63  }
0xb4: {  	s20 =	sadd.s32 s6, s18;
	s21 =	sand.u32 $0x1FFFFFF0, s19;
	s22 =	spop (v2sf)  }
0xb5: {  	[tilespmem:s10], [sflag:$0x1] =	stream.linear.gather [hbm4b:s20+s2], $0x80, $0x38;
	[tilespmem:$0x880] =	vst v63  }
0xb6: {  	s23 =	sadd.s32 s6, s21;
	s24 =	sand.u32 $0x1FFFFFF0, s22;
	s25 =	spop (v2sf)  }
0xb7: {  	[tilespmem:s9], [sflag:$0x1] =	stream.linear.gather [hbm4b:s23+s2], $0x80, $0x38;
	[tilespmem:$0x880] =	vst v63  }
0xb8: {  	s8 =	rddreg [dreg:$0x12];
	s26 =	sadd.s32 s6, s24;
	s28 =	sand.u32 $0x1FFFFFF0, s25  }
0xb9: {  	[tilespmem:s8], [sflag:$0x1] =	stream.linear.gather [hbm4b:s26+s2], $0x80, $0x38;
	[tilespmem:$0x880] =	vst v63  }
0xba: {  	s29 =	rddreg [dreg:$0x13];
	s30 =	sadd.s32 s6, s28  }
0xbb: {  	[tilespmem:s29], [sflag:$0x1] =	stream.linear.gather [hbm4b:s30+s2], $0x80, $0x38;
	[tilespmem:$0x880] =	vst v63  }
0xbc: {  	_ =	swait.ge [sflag:s5], $0x80  }
0xbd: {  	[sflag:s5] =	ssyncset.done $0x0  }
0xbe: {  	[sflag:s5] =	ssyncadd.s32 $0xFFFFFF80  }
0xbf: {  	_ =	swait.ge [sflag:s5], $0x80  }
0xc0: {  	[sflag:s5] =	ssyncset.done $0x0  }
0xc1: {  	[sflag:s5] =	ssyncadd.s32 $0xFFFFFF80  }
0xc2: {  	_ =	swait.ge [sflag:s5], $0x80  }
0xc3: {  	[sflag:s5] =	ssyncset.done $0x0  }
0xc4: {  	[sflag:s5] =	ssyncadd.s32 $0xFFFFFF80  }
0xc5: {  	_ =	swait.ge [sflag:s5], $0x80  }
0xc6: {  	[sflag:s5] =	ssyncset.done $0x0  }
0xc7: {  	[sflag:s5] =	ssyncadd.s32 $0xFFFFFF80  }
0xc8: {  	_ =	swait.ge [sflag:s5], $0x80  }
0xc9: {  	[sflag:s5] =	ssyncset.done $0x0  }
0xca: {  	[sflag:s5] =	ssyncadd.s32 $0xFFFFFF80  }
0xcb: {  	_ =	swait.ge [sflag:s5], $0x80  }
0xcc: {  	[sflag:s5] =	ssyncset.done $0x0  }
0xcd: {  	[sflag:s5] =	ssyncadd.s32 $0xFFFFFF80  }
0xce: {  	_ =	swait.ge [sflag:s5], $0x80  }
0xcf: {  	[sflag:s5] =	ssyncset.done $0x0  }
0xd0: {  	[sflag:s5] =	ssyncadd.s32 $0xFFFFFF80  }
0xd1: {  	_ =	swait.ge [sflag:s5], $0x80  }
0xd2: {  	[sflag:s5] =	ssyncset.done $0x0  }
0xd3: {  	[sflag:s5] =	ssyncadd.s32 $0xFFFFFF80  }
0xd4: {  	_ =	swait.ge [sflag:s5], $0x80  }
0xd5: {  	[sflag:s5] =	ssyncset.done $0x0  }
0xd6: {  	[sflag:s5] =	ssyncadd.s32 $0xFFFFFF80  }
0xd7: {  	_ =	swait.ge [sflag:s5], $0x80  }
0xd8: {  	[sflag:s5] =	ssyncset.done $0x0  }
0xd9: {  	[sflag:s5] =	ssyncadd.s32 $0xFFFFFF80  }
0xda: {  	_ =	swait.ge [sflag:s5], $0x80  }
0xdb: {  	[sflag:s5] =	ssyncset.done $0x0  }
0xdc: {  	[sflag:s5] =	ssyncadd.s32 $0xFFFFFF80  }
0xdd: {  	_ =	swait.ge [sflag:s5], $0x80  }
0xde: {  	[sflag:s5] =	ssyncset.done $0x0  }
0xdf: {  	[sflag:s5] =	ssyncadd.s32 $0xFFFFFF80  }
0xe0: {  	_ =	swait.ge [sflag:s5], $0x80  }
0xe1: {  	[sflag:s5] =	ssyncset.done $0x0  }
0xe2: {  	[sflag:s5] =	ssyncadd.s32 $0xFFFFFF80  }
0xe3: {  	_ =	swait.ge [sflag:s5], $0x80  }
0xe4: {  	[sflag:s5] =	ssyncset.done $0x0  }
0xe5: {  	[sflag:s5] =	ssyncadd.s32 $0xFFFFFF80  }
0xe6: {  	_ =	swait.ge [sflag:s5], $0x80  }
0xe7: {  	[sflag:s5] =	ssyncset.done $0x0  }
0xe8: {  	[sflag:s5] =	ssyncadd.s32 $0xFFFFFF80  }
0xe9: {  	p1 =	sne.s32 s7, $0x1;
	_ =	swait.ge [sflag:s5], $0x80  }
.Ltmp3:
0xea: {  	[sflag:s5] =	ssyncset.done $0x0;
	(pc) =	sbr.rel @p1 .LBB2_3-.Ltmp3, $4  }
0xeb: {  	s31 =	rddreg [dreg:$0x3];
	[sflag:s5] =	ssyncadd.s32 $0xFFFFFF80  }
0xec: {  	[hbm4b:s31+s2] =	stream.linear.scatter [tilespmem:s4], [sflag:$0x2], $0x800, $0x38;
	[tilespmem:$0x880] =	vst v63  }
0xed: {  	_ =	swait.ge [sflag:s3], $0x800  }
0xee: {  	s7 =	sadd.s32 $0xFFFFFFFF, s7;
	s8 =	rddreg [dreg:$0x4];
	[sflag:s3] =	ssyncset.done $0x0  }
.LBB2_4:
0xef: {  	[sflag:s3] =	ssyncadd.s32 @p0 $0xFFFFF800  }
0xf0: {  	[tilespmem:s2], [sflag:$0x2] =	stream.linear.gather [hbm4b:s8+s2], $0x10, $0x38;
	[tilespmem:$0x880] =	vst v63  }
0xf1: {  	_ =	swait.ge [sflag:s3], $0x10  }
0xf2: {  	[sflag:s3] =	ssyncset.done $0x0  }
0xf3: {  	[sflag:s3] =	ssyncadd.s32 $0xFFFFFFF0  }
0xf4: {  	v0 =	vld [tilespmem:$0x0];
	_ =	sdelay $0x4  }
0xf5: {  	v0 =	vshll.u32 v0, $0x4  }
0xf6: {  	(v2sf) =	vpush v0, $0x0  }
0xf7: {  	(v2sf) =	vpush v0, $0x1  }
0xf8: {  	(v2sf) =	vpush v0, $0x2;
	_ =	sdelay $0x1  }
0xf9: {  	s8 =	rddreg [dreg:$0x11];
	(v2sf) =	vpush v0, $0x3  }
0xfa: {  	s9 =	rddreg [dreg:$0x10]  }
0xfb: {  	s10 =	rddreg [dreg:$0xf];
	(v2sf) =	vpush v0, $0x4  }
0xfc: {  	s11 =	rddreg [dreg:$0xe]  }
0xfd: {  	s12 =	rddreg [dreg:$0xd];
	(v2sf) =	vpush v0, $0x5  }
0xfe: {  	s13 =	rddreg [dreg:$0xc]  }
0xff: {  	s14 =	rddreg [dreg:$0xb];
	(v2sf) =	vpush v0, $0x6  }
0x100: {  	s15 =	rddreg [dreg:$0xa]  }
0x101: {  	s16 =	rddreg [dreg:$0x9];
	(v2sf) =	vpush v0, $0x7  }
0x102: {  	s17 =	rddreg [dreg:$0x8]  }
0x103: {  	s18 =	rddreg [dreg:$0x7];
	(v2sf) =	vpush v0, $0x8  }
0x104: {  	s19 =	rddreg [dreg:$0x6];
	s20 =	spop (v2sf)  }
0x105: {  	s21 =	rddreg [dreg:$0x5];
	(v2sf) =	vpush v0, $0x9;
	s20 =	sand.u32 $0x1FFFFFF0, s20;
	s22 =	spop (v2sf)  }
0x106: {  	s20 =	sadd.s32 s6, s20;
	s22 =	sand.u32 $0x1FFFFFF0, s22;
	s23 =	spop (v2sf)  }
0x107: {  	(v2sf) =	vpush v0, $0xA;
	[tilespmem:s4], [sflag:$0x1] =	stream.linear.gather [hbm4b:s20+s2], $0x80, $0x38;
	[tilespmem:$0x880] =	vst v63  }
0x108: {  	s25 =	sadd.s32 s6, s22;
	s26 =	sand.u32 $0x1FFFFFF0, s23;
	s28 =	spop (v2sf)  }
0x109: {  	(v2sf) =	vpush v0, $0xB;
	[tilespmem:s21], [sflag:$0x1] =	stream.linear.gather [hbm4b:s25+s2], $0x80, $0x38;
	[tilespmem:$0x880] =	vst v63  }
0x10a: {  	s29 =	sadd.s32 s6, s26;
	s30 =	sand.u32 $0x1FFFFFF0, s28;
	s31 =	spop (v2sf)  }
0x10b: {  	(v2sf) =	vpush v0, $0xC;
	[tilespmem:s19], [sflag:$0x1] =	stream.linear.gather [hbm4b:s29+s2], $0x80, $0x38;
	[tilespmem:$0x880] =	vst v63  }
0x10c: {  	s21 =	sadd.s32 s6, s30;
	s23 =	sand.u32 $0x1FFFFFF0, s31;
	s24 =	spop (v2sf)  }
0x10d: {  	(v2sf) =	vpush v0, $0xD;
	[tilespmem:s18], [sflag:$0x1] =	stream.linear.gather [hbm4b:s21+s2], $0x80, $0x38;
	[tilespmem:$0x880] =	vst v63  }
0x10e: {  	s25 =	sadd.s32 s6, s23;
	s26 =	sand.u32 $0x1FFFFFF0, s24;
	s28 =	spop (v2sf)  }
0x10f: {  	(v2sf) =	vpush v0, $0xE;
	[tilespmem:s17], [sflag:$0x1] =	stream.linear.gather [hbm4b:s25+s2], $0x80, $0x38;
	[tilespmem:$0x880] =	vst v63  }
0x110: {  	s29 =	sadd.s32 s6, s26;
	s30 =	sand.u32 $0x1FFFFFF0, s28;
	s31 =	spop (v2sf)  }
0x111: {  	(v2sf) =	vpush v0, $0xF;
	[tilespmem:s16], [sflag:$0x1] =	stream.linear.gather [hbm4b:s29+s2], $0x80, $0x38;
	[tilespmem:$0x880] =	vst v63  }
0x112: {  	s20 =	sand.u32 $0x1FFFFFF0, s31;
	s18 =	sadd.s32 s6, s30;
	s21 =	spop (v2sf)  }
0x113: {  	[tilespmem:s15], [sflag:$0x1] =	stream.linear.gather [hbm4b:s18+s2], $0x80, $0x38;
	[tilespmem:$0x880] =	vst v63  }
0x114: {  	s22 =	sadd.s32 s6, s20;
	s23 =	sand.u32 $0x1FFFFFF0, s21;
	s24 =	spop (v2sf)  }
0x115: {  	[tilespmem:s14], [sflag:$0x1] =	stream.linear.gather [hbm4b:s22+s2], $0x80, $0x38;
	[tilespmem:$0x880] =	vst v63  }
0x116: {  	s25 =	sadd.s32 s6, s23;
	s26 =	sand.u32 $0x1FFFFFF0, s24;
	s28 =	spop (v2sf)  }
0x117: {  	[tilespmem:s13], [sflag:$0x1] =	stream.linear.gather [hbm4b:s25+s2], $0x80, $0x38;
	[tilespmem:$0x880] =	vst v63  }
0x118: {  	s29 =	sadd.s32 s6, s26;
	s30 =	sand.u32 $0x1FFFFFF0, s28;
	s31 =	spop (v2sf)  }
0x119: {  	[tilespmem:s12], [sflag:$0x1] =	stream.linear.gather [hbm4b:s29+s2], $0x80, $0x38;
	[tilespmem:$0x880] =	vst v63  }
0x11a: {  	s14 =	sadd.s32 s6, s30;
	s15 =	sand.u32 $0x1FFFFFF0, s31;
	s16 =	spop (v2sf)  }
0x11b: {  	[tilespmem:s11], [sflag:$0x1] =	stream.linear.gather [hbm4b:s14+s2], $0x80, $0x38;
	[tilespmem:$0x880] =	vst v63  }
0x11c: {  	s17 =	sadd.s32 s6, s15;
	s18 =	sand.u32 $0x1FFFFFF0, s16;
	s19 =	spop (v2sf)  }
0x11d: {  	[tilespmem:s10], [sflag:$0x1] =	stream.linear.gather [hbm4b:s17+s2], $0x80, $0x38;
	[tilespmem:$0x880] =	vst v63  }
0x11e: {  	s20 =	sadd.s32 s6, s18;
	s21 =	sand.u32 $0x1FFFFFF0, s19;
	s22 =	spop (v2sf)  }
0x11f: {  	[tilespmem:s9], [sflag:$0x1] =	stream.linear.gather [hbm4b:s20+s2], $0x80, $0x38;
	[tilespmem:$0x880] =	vst v63  }
0x120: {  	s23 =	sadd.s32 s6, s21;
	s24 =	sand.u32 $0x1FFFFFF0, s22;
	s25 =	spop (v2sf)  }
0x121: {  	[tilespmem:s8], [sflag:$0x1] =	stream.linear.gather [hbm4b:s23+s2], $0x80, $0x38;
	[tilespmem:$0x880] =	vst v63  }
0x122: {  	s7 =	rddreg [dreg:$0x12];
	s26 =	sadd.s32 s6, s24;
	s28 =	sand.u32 $0x1FFFFFF0, s25  }
0x123: {  	[tilespmem:s7], [sflag:$0x1] =	stream.linear.gather [hbm4b:s26+s2], $0x80, $0x38;
	[tilespmem:$0x880] =	vst v63  }
0x124: {  	s29 =	rddreg [dreg:$0x13];
	s30 =	sadd.s32 s6, s28  }
0x125: {  	[tilespmem:s29], [sflag:$0x1] =	stream.linear.gather [hbm4b:s30+s2], $0x80, $0x38;
	[tilespmem:$0x880] =	vst v63  }
0x126: {  	_ =	swait.ge [sflag:s5], $0x80  }
0x127: {  	[sflag:s5] =	ssyncset.done $0x0  }
0x128: {  	[sflag:s5] =	ssyncadd.s32 $0xFFFFFF80  }
0x129: {  	_ =	swait.ge [sflag:s5], $0x80  }
0x12a: {  	[sflag:s5] =	ssyncset.done $0x0  }
0x12b: {  	[sflag:s5] =	ssyncadd.s32 $0xFFFFFF80  }
0x12c: {  	_ =	swait.ge [sflag:s5], $0x80  }
0x12d: {  	[sflag:s5] =	ssyncset.done $0x0  }
0x12e: {  	[sflag:s5] =	ssyncadd.s32 $0xFFFFFF80  }
0x12f: {  	_ =	swait.ge [sflag:s5], $0x80  }
0x130: {  	[sflag:s5] =	ssyncset.done $0x0  }
0x131: {  	[sflag:s5] =	ssyncadd.s32 $0xFFFFFF80  }
0x132: {  	_ =	swait.ge [sflag:s5], $0x80  }
0x133: {  	[sflag:s5] =	ssyncset.done $0x0  }
0x134: {  	[sflag:s5] =	ssyncadd.s32 $0xFFFFFF80  }
0x135: {  	_ =	swait.ge [sflag:s5], $0x80  }
0x136: {  	[sflag:s5] =	ssyncset.done $0x0  }
0x137: {  	[sflag:s5] =	ssyncadd.s32 $0xFFFFFF80  }
0x138: {  	_ =	swait.ge [sflag:s5], $0x80  }
0x139: {  	[sflag:s5] =	ssyncset.done $0x0  }
0x13a: {  	[sflag:s5] =	ssyncadd.s32 $0xFFFFFF80  }
0x13b: {  	_ =	swait.ge [sflag:s5], $0x80  }
0x13c: {  	[sflag:s5] =	ssyncset.done $0x0  }
0x13d: {  	[sflag:s5] =	ssyncadd.s32 $0xFFFFFF80  }
0x13e: {  	_ =	swait.ge [sflag:s5], $0x80  }
0x13f: {  	[sflag:s5] =	ssyncset.done $0x0  }
0x140: {  	[sflag:s5] =	ssyncadd.s32 $0xFFFFFF80  }
0x141: {  	_ =	swait.ge [sflag:s5], $0x80  }
0x142: {  	[sflag:s5] =	ssyncset.done $0x0  }
0x143: {  	[sflag:s5] =	ssyncadd.s32 $0xFFFFFF80  }
0x144: {  	_ =	swait.ge [sflag:s5], $0x80  }
0x145: {  	[sflag:s5] =	ssyncset.done $0x0  }
0x146: {  	[sflag:s5] =	ssyncadd.s32 $0xFFFFFF80  }
0x147: {  	_ =	swait.ge [sflag:s5], $0x80  }
0x148: {  	[sflag:s5] =	ssyncset.done $0x0  }
0x149: {  	[sflag:s5] =	ssyncadd.s32 $0xFFFFFF80  }
0x14a: {  	_ =	swait.ge [sflag:s5], $0x80  }
0x14b: {  	[sflag:s5] =	ssyncset.done $0x0  }
0x14c: {  	[sflag:s5] =	ssyncadd.s32 $0xFFFFFF80  }
0x14d: {  	_ =	swait.ge [sflag:s5], $0x80  }
0x14e: {  	[sflag:s5] =	ssyncset.done $0x0  }
0x14f: {  	[sflag:s5] =	ssyncadd.s32 $0xFFFFFF80  }
0x150: {  	_ =	swait.ge [sflag:s5], $0x80  }
0x151: {  	[sflag:s5] =	ssyncset.done $0x0  }
0x152: {  	[sflag:s5] =	ssyncadd.s32 $0xFFFFFF80  }
0x153: {  	_ =	swait.ge [sflag:s5], $0x80  }
0x154: {  	[sflag:s5] =	ssyncset.done $0x0  }
0x155: {  	s31 =	rddreg [dreg:$0x3];
	[sflag:s5] =	ssyncadd.s32 $0xFFFFFF80  }
0x156: {  	[hbm4b:s31+s2] =	stream.linear.scatter [tilespmem:s4], [sflag:$0x2], $0x800, $0x38;
	[tilespmem:$0x880] =	vst v63  }
0x157: {  	_ =	swait.ge [sflag:s3], $0x800  }
0x158: {  	[sflag:s3] =	ssyncset.done $0x0  }
0x159: {  	[sflag:s3] =	ssyncadd.s32 $0xFFFFF800  }
.LBB2_5:
0x15a: {  	_ =	sfence.sel $0x180000  }
0x15b: {  	[bflag:$0x0] =	sbarrier.arrive $0xFFFF  }
0x15c: {  	p0 =	sne.s32 s1, $0x0;
	_ =	strace $0x90000047  }
0x15d: {  	s0 =	sadd.s32 @!p0 $0x100000, s0;
	[bflag:$0x2] =	sbarrier.arrive $0xFFFF  }
0x15e: {  	[sflag:s0] =	ssyncadd.tile.s32 @!p0 $0x1;
	_ =	shalt  }
.Lfunc_end2:
_tile_overlayer_lowered:
.L_overlay_start_2:
0x15f: {  	(tag) =	ssettag $0x2  }
0x160: {  	s0 =	rddreg [dreg:$0x0];
	s2 =	stileid.u32  }
0x161: {  	s1 =	rddreg [dreg:$0x1];
	p0 =	sne.s32 s2, $0x0  }
0x162: {  	s3 =	rddreg [dreg:$0x2];
	[bflag:$0x3] =	sbarrier.arrive $0xFFFF;
	s2 =	simm.s32 @!p0 $0x1C02  }
0x163: {  	[timem:s3], [sflag:s2] =	dma.local @!p0 [hbm:s0], s1  }
0x164: {  	s0 =	simm.s32 @!p0 $0x2  }
0x165: {  	_ =	swait.ge @!p0 [sflag:s0], s1  }
0x166: {  	s1 =	ssub.s32 @!p0 $0x0, s1;
	[sflag:s0] =	ssyncset.done @!p0 $0x0  }
0x167: {  	[sflag:s0] =	ssyncadd.s32 @!p0 s1  }
0x168: {  	[bflag:$0x3] =	sbarrier.arrive $0xFFFF  }
0x169: {  	_ =	shalt  }

</sc_bundles>
